<compile_context>
chip_gen: v7x
topology: tpu7x:2x2x1
jax: 0.10.2.dev20260603
libtpu: 0.0.44.dev20260713+nightly
codegen_flags: <defaults>
</compile_context>

<pallas_src>
import functools

import jax
import jax.numpy as jnp
from jax import lax
from jax.experimental import pallas as pl
from jax.experimental.pallas import tpu as pltpu
from jax.experimental.pallas import tpu_sc as plsc

_D = 64
_NC = 2
_NS = 16
_NW = _NC * _NS


def _sc_gather(table, idsf, b, k):
    n = b * k
    bb = b // _NW
    bpw = n // _NW
    mesh = plsc.VectorSubcoreMesh(core_axis_name="c", subcore_axis_name="s")

    @functools.partial(
        pl.kernel,
        out_type=jax.ShapeDtypeStruct((k, b, _D), jnp.float32),
        mesh=mesh,
        scratch_types=[
            pltpu.VMEM((bpw,), jnp.int32),
            pltpu.VMEM((bb, _D), jnp.float32),
            pltpu.VMEM((bb, _D), jnp.float32),
            pltpu.SemaphoreType.DMA,
            pltpu.SemaphoreType.DMA,
        ],
        compiler_params=pltpu.CompilerParams(
            use_tc_tiling_on_sc=False,
            needs_layout_passes=False,
            disable_bounds_checks=True,
        ),
    )
    def body(table_hbm, ids_hbm, out_hbm, idx_v, rows0, rows1, gsem0, gsem1):
        wid = lax.axis_index("s") * _NC + lax.axis_index("c")
        bbase = pl.multiple_of(wid * bb, 8)

        for k_ in range(k):
            pltpu.async_copy(
                ids_hbm.at[pl.ds(k_ * b + bbase, bb)],
                idx_v.at[pl.ds(k_ * bb, bb)],
                gsem0,
            )
        for k_ in range(k):
            pltpu.make_async_copy(
                ids_hbm.at[pl.ds(k_ * b + bbase, bb)],
                idx_v.at[pl.ds(k_ * bb, bb)],
                gsem0,
            ).wait()

        def idx_slice(c):
            return idx_v.at[pl.ds(pl.multiple_of(c * bb, 8), bb)]

        def start_gather(c, buf, sem):
            pltpu.async_copy(table_hbm.at[idx_slice(c)], buf, sem)

        def wait_gather(c, buf, sem):
            pltpu.make_async_copy(table_hbm.at[idx_slice(c)], buf, sem).wait()

        def copy_out(c, buf):
            pltpu.sync_copy(buf, out_hbm.at[c, pl.ds(bbase, bb)])

        start_gather(0, rows0, gsem0)
        start_gather(1, rows1, gsem1)
        wait_gather(0, rows0, gsem0)
        copy_out(0, rows0)

        @pl.loop(1, k - 1, step=2)
        def pair(c):
            start_gather(c + 1, rows0, gsem0)
            wait_gather(c, rows1, gsem1)
            copy_out(c, rows1)
            start_gather(c + 2, rows1, gsem1)
            wait_gather(c + 1, rows0, gsem0)
            copy_out(c + 1, rows0)

        wait_gather(k - 1, rows1, gsem1)
        copy_out(k - 1, rows1)

    return body(table, idsf)


def kernel(feats, ids):
    b, k = ids.shape
    idsf = ids.T.reshape(-1).astype(jnp.int32)
    out3 = _sc_gather(feats, idsf, b, k)
    return out3.transpose(1, 0, 2)

# --- scband reference (transcript-rebuilt; emitter-appended) ---
"""Pipeline reference for scband-get-item-storage-32109175504921 (READ-ONLY COPY).

The authoritative reference and input builder live on the scoring server;
editing this copy changes nothing except your own understanding.
"""

import jax, jax.numpy as jnp
import numpy as np


def setup_inputs(seed: int = 0) -> dict:
    key = jax.random.key(seed)
    k1, k2 = jax.random.split(key)
    feats = jax.random.normal(k1, (1000000, 64), dtype=jnp.float32)
    ids = jax.random.randint(k2, (16384, 26), 0, 1000000, dtype=jnp.int64)
    return {"feats": feats, "ids": ids}


def reference(feats, ids):
    # GetItemStorage.forward: output = input[index]
    # Plain advanced-indexing gather (embedding-style lookup).
    output = jnp.take(feats, ids, axis=0)
    return output

if __name__ == "__main__":
    import jax
    _d = setup_inputs()
    print(jax.jit(kernel)(*tuple(_d.values())))

</pallas_src>

<mosaic_0001>
#map = affine_map<(d0, d1) -> (0, 0)>
#map1 = affine_map<(d0, d1) -> (0)>
#map2 = affine_map<(d0, d1) -> (0, 0, 0)>
module attributes {stable_mosaic.version = 14 : i64} {
  func.func @body(%arg0: i32, %arg1: i32, %arg2: memref<1000000x64xf32, #tpu.memory_space<hbm>>, %arg3: memref<425984xi32, #tpu.memory_space<hbm>>, %arg4: memref<26x16384x64xf32, #tpu.memory_space<hbm>>, %arg5: memref<13312xi32, #tpu.memory_space<vmem>>, %arg6: memref<512x64xf32, #tpu.memory_space<vmem>>, %arg7: memref<512x64xf32, #tpu.memory_space<vmem>>, %arg8: memref<!tpu.dma_semaphore, #tpu.memory_space<semaphore_mem>>, %arg9: memref<!tpu.dma_semaphore, #tpu.memory_space<semaphore_mem>>) attributes {dimension_semantics = [#tpu.dimension_semantics<core_parallel>, #tpu.dimension_semantics<subcore_parallel>], iteration_bounds = array<i64: 2, 16>, scalar_prefetch = 0 : i64, scratch_operands = 5 : i64, tpu.core_type = #tpu.core_type<sc_vector_subcore>, window_params = [{transform_indices = #map}, {transform_indices = #map1}, {transform_indices = #map2}]} {
    %mul3A = arith.constant 2 : i32
    %mul3A_0 = arith.muli %arg1, %mul3A : i32
    %add3A = arith.addi %mul3A_0, %arg0 : i32
    %mul3A_1 = arith.constant 512 : i32
    %mul3A_2 = arith.muli %add3A, %mul3A_1 : i32
    %multiple_of3A = tpu.assume_multiple %mul3A_2, 8 : i32
    %add3A_3 = arith.constant 0 : i32
    %add3A_4 = arith.addi %add3A_3, %multiple_of3A : i32
    %dma_start3A = arith.constant 0 : i32
    %dma_start3A_5 = tpu.memref_slice %arg5[%dma_start3A] : memref<13312xi32, #tpu.memory_space<vmem>> -> memref<512xi32, #tpu.memory_space<vmem>>
    %dma_start3A_6 = tpu.memref_slice %arg3[%add3A_4] : memref<425984xi32, #tpu.memory_space<hbm>> -> memref<512xi32, #tpu.memory_space<hbm>>
    %dma_start3A_7 = arith.constant 0 : i32
    %dma_start3A_8 = tpu.memref_slice %arg5[%dma_start3A_7] : memref<13312xi32, #tpu.memory_space<vmem>> -> memref<512xi32, #tpu.memory_space<vmem>>
    %dma_start3A_9 = tpu.memref_slice %arg3[%add3A_4] : memref<425984xi32, #tpu.memory_space<hbm>> -> memref<512xi32, #tpu.memory_space<hbm>>
    tpu.enqueue_dma source(%dma_start3A_9 : memref<512xi32, #tpu.memory_space<hbm>>) target(%dma_start3A_8 : memref<512xi32, #tpu.memory_space<vmem>>) target_semaphore(%arg8 : memref<!tpu.dma_semaphore, #tpu.memory_space<semaphore_mem>>)
    %add3A_10 = arith.constant 16384 : i32
    %add3A_11 = arith.addi %add3A_10, %multiple_of3A : i32
    %dma_start3A_12 = arith.constant 512 : i32
    %dma_start3A_13 = tpu.memref_slice %arg5[%dma_start3A_12] : memref<13312xi32, #tpu.memory_space<vmem>> -> memref<512xi32, #tpu.memory_space<vmem>>
    %dma_start3A_14 = tpu.memref_slice %arg3[%add3A_11] : memref<425984xi32, #tpu.memory_space<hbm>> -> memref<512xi32, #tpu.memory_space<hbm>>
    %dma_start3A_15 = arith.constant 512 : i32
    %dma_start3A_16 = tpu.memref_slice %arg5[%dma_start3A_15] : memref<13312xi32, #tpu.memory_space<vmem>> -> memref<512xi32, #tpu.memory_space<vmem>>
    %dma_start3A_17 = tpu.memref_slice %arg3[%add3A_11] : memref<425984xi32, #tpu.memory_space<hbm>> -> memref<512xi32, #tpu.memory_space<hbm>>
    tpu.enqueue_dma source(%dma_start3A_17 : memref<512xi32, #tpu.memory_space<hbm>>) target(%dma_start3A_16 : memref<512xi32, #tpu.memory_space<vmem>>) target_semaphore(%arg8 : memref<!tpu.dma_semaphore, #tpu.memory_space<semaphore_mem>>)
    %add3A_18 = arith.constant 32768 : i32
    %add3A_19 = arith.addi %add3A_18, %multiple_of3A : i32
    %dma_start3A_20 = arith.constant 1024 : i32
    %dma_start3A_21 = tpu.memref_slice %arg5[%dma_start3A_20] : memref<13312xi32, #tpu.memory_space<vmem>> -> memref<512xi32, #tpu.memory_space<vmem>>
    %dma_start3A_22 = tpu.memref_slice %arg3[%add3A_19] : memref<425984xi32, #tpu.memory_space<hbm>> -> memref<512xi32, #tpu.memory_space<hbm>>
    %dma_start3A_23 = arith.constant 1024 : i32
    %dma_start3A_24 = tpu.memref_slice %arg5[%dma_start3A_23] : memref<13312xi32, #tpu.memory_space<vmem>> -> memref<512xi32, #tpu.memory_space<vmem>>
    %dma_start3A_25 = tpu.memref_slice %arg3[%add3A_19] : memref<425984xi32, #tpu.memory_space<hbm>> -> memref<512xi32, #tpu.memory_space<hbm>>
    tpu.enqueue_dma source(%dma_start3A_25 : memref<512xi32, #tpu.memory_space<hbm>>) target(%dma_start3A_24 : memref<512xi32, #tpu.memory_space<vmem>>) target_semaphore(%arg8 : memref<!tpu.dma_semaphore, #tpu.memory_space<semaphore_mem>>)
    %add3A_26 = arith.constant 49152 : i32
    %add3A_27 = arith.addi %add3A_26, %multiple_of3A : i32
    %dma_start3A_28 = arith.constant 1536 : i32
    %dma_start3A_29 = tpu.memref_slice %arg5[%dma_start3A_28] : memref<13312xi32, #tpu.memory_space<vmem>> -> memref<512xi32, #tpu.memory_space<vmem>>
    %dma_start3A_30 = tpu.memref_slice %arg3[%add3A_27] : memref<425984xi32, #tpu.memory_space<hbm>> -> memref<512xi32, #tpu.memory_space<hbm>>
    %dma_start3A_31 = arith.constant 1536 : i32
    %dma_start3A_32 = tpu.memref_slice %arg5[%dma_start3A_31] : memref<13312xi32, #tpu.memory_space<vmem>> -> memref<512xi32, #tpu.memory_space<vmem>>
    %dma_start3A_33 = tpu.memref_slice %arg3[%add3A_27] : memref<425984xi32, #tpu.memory_space<hbm>> -> memref<512xi32, #tpu.memory_space<hbm>>
    tpu.enqueue_dma source(%dma_start3A_33 : memref<512xi32, #tpu.memory_space<hbm>>) target(%dma_start3A_32 : memref<512xi32, #tpu.memory_space<vmem>>) target_semaphore(%arg8 : memref<!tpu.dma_semaphore, #tpu.memory_space<semaphore_mem>>)
    %add3A_34 = arith.constant 65536 : i32
    %add3A_35 = arith.addi %add3A_34, %multiple_of3A : i32
    %dma_start3A_36 = arith.constant 2048 : i32
    %dma_start3A_37 = tpu.memref_slice %arg5[%dma_start3A_36] : memref<13312xi32, #tpu.memory_space<vmem>> -> memref<512xi32, #tpu.memory_space<vmem>>
    %dma_start3A_38 = tpu.memref_slice %arg3[%add3A_35] : memref<425984xi32, #tpu.memory_space<hbm>> -> memref<512xi32, #tpu.memory_space<hbm>>
    %dma_start3A_39 = arith.constant 2048 : i32
    %dma_start3A_40 = tpu.memref_slice %arg5[%dma_start3A_39] : memref<13312xi32, #tpu.memory_space<vmem>> -> memref<512xi32, #tpu.memory_space<vmem>>
    %dma_start3A_41 = tpu.memref_slice %arg3[%add3A_35] : memref<425984xi32, #tpu.memory_space<hbm>> -> memref<512xi32, #tpu.memory_space<hbm>>
    tpu.enqueue_dma source(%dma_start3A_41 : memref<512xi32, #tpu.memory_space<hbm>>) target(%dma_start3A_40 : memref<512xi32, #tpu.memory_space<vmem>>) target_semaphore(%arg8 : memref<!tpu.dma_semaphore, #tpu.memory_space<semaphore_mem>>)
    %add3A_42 = arith.constant 81920 : i32
    %add3A_43 = arith.addi %add3A_42, %multiple_of3A : i32
    %dma_start3A_44 = arith.constant 2560 : i32
    %dma_start3A_45 = tpu.memref_slice %arg5[%dma_start3A_44] : memref<13312xi32, #tpu.memory_space<vmem>> -> memref<512xi32, #tpu.memory_space<vmem>>
    %dma_start3A_46 = tpu.memref_slice %arg3[%add3A_43] : memref<425984xi32, #tpu.memory_space<hbm>> -> memref<512xi32, #tpu.memory_space<hbm>>
    %dma_start3A_47 = arith.constant 2560 : i32
    %dma_start3A_48 = tpu.memref_slice %arg5[%dma_start3A_47] : memref<13312xi32, #tpu.memory_space<vmem>> -> memref<512xi32, #tpu.memory_space<vmem>>
    %dma_start3A_49 = tpu.memref_slice %arg3[%add3A_43] : memref<425984xi32, #tpu.memory_space<hbm>> -> memref<512xi32, #tpu.memory_space<hbm>>
    tpu.enqueue_dma source(%dma_start3A_49 : memref<512xi32, #tpu.memory_space<hbm>>) target(%dma_start3A_48 : memref<512xi32, #tpu.memory_space<vmem>>) target_semaphore(%arg8 : memref<!tpu.dma_semaphore, #tpu.memory_space<semaphore_mem>>)
    %add3A_50 = arith.constant 98304 : i32
    %add3A_51 = arith.addi %add3A_50, %multiple_of3A : i32
    %dma_start3A_52 = arith.constant 3072 : i32
    %dma_start3A_53 = tpu.memref_slice %arg5[%dma_start3A_52] : memref<13312xi32, #tpu.memory_space<vmem>> -> memref<512xi32, #tpu.memory_space<vmem>>
    %dma_start3A_54 = tpu.memref_slice %arg3[%add3A_51] : memref<425984xi32, #tpu.memory_space<hbm>> -> memref<512xi32, #tpu.memory_space<hbm>>
    %dma_start3A_55 = arith.constant 3072 : i32
    %dma_start3A_56 = tpu.memref_slice %arg5[%dma_start3A_55] : memref<13312xi32, #tpu.memory_space<vmem>> -> memref<512xi32, #tpu.memory_space<vmem>>
    %dma_start3A_57 = tpu.memref_slice %arg3[%add3A_51] : memref<425984xi32, #tpu.memory_space<hbm>> -> memref<512xi32, #tpu.memory_space<hbm>>
    tpu.enqueue_dma source(%dma_start3A_57 : memref<512xi32, #tpu.memory_space<hbm>>) target(%dma_start3A_56 : memref<512xi32, #tpu.memory_space<vmem>>) target_semaphore(%arg8 : memref<!tpu.dma_semaphore, #tpu.memory_space<semaphore_mem>>)
    %add3A_58 = arith.constant 114688 : i32
    %add3A_59 = arith.addi %add3A_58, %multiple_of3A : i32
    %dma_start3A_60 = arith.constant 3584 : i32
    %dma_start3A_61 = tpu.memref_slice %arg5[%dma_start3A_60] : memref<13312xi32, #tpu.memory_space<vmem>> -> memref<512xi32, #tpu.memory_space<vmem>>
    %dma_start3A_62 = tpu.memref_slice %arg3[%add3A_59] : memref<425984xi32, #tpu.memory_space<hbm>> -> memref<512xi32, #tpu.memory_space<hbm>>
    %dma_start3A_63 = arith.constant 3584 : i32
    %dma_start3A_64 = tpu.memref_slice %arg5[%dma_start3A_63] : memref<13312xi32, #tpu.memory_space<vmem>> -> memref<512xi32, #tpu.memory_space<vmem>>
    %dma_start3A_65 = tpu.memref_slice %arg3[%add3A_59] : memref<425984xi32, #tpu.memory_space<hbm>> -> memref<512xi32, #tpu.memory_space<hbm>>
    tpu.enqueue_dma source(%dma_start3A_65 : memref<512xi32, #tpu.memory_space<hbm>>) target(%dma_start3A_64 : memref<512xi32, #tpu.memory_space<vmem>>) target_semaphore(%arg8 : memref<!tpu.dma_semaphore, #tpu.memory_space<semaphore_mem>>)
    %add3A_66 = arith.constant 131072 : i32
    %add3A_67 = arith.addi %add3A_66, %multiple_of3A : i32
    %dma_start3A_68 = arith.constant 4096 : i32
    %dma_start3A_69 = tpu.memref_slice %arg5[%dma_start3A_68] : memref<13312xi32, #tpu.memory_space<vmem>> -> memref<512xi32, #tpu.memory_space<vmem>>
    %dma_start3A_70 = tpu.memref_slice %arg3[%add3A_67] : memref<425984xi32, #tpu.memory_space<hbm>> -> memref<512xi32, #tpu.memory_space<hbm>>
    %dma_start3A_71 = arith.constant 4096 : i32
    %dma_start3A_72 = tpu.memref_slice %arg5[%dma_start3A_71] : memref<13312xi32, #tpu.memory_space<vmem>> -> memref<512xi32, #tpu.memory_space<vmem>>
    %dma_start3A_73 = tpu.memref_slice %arg3[%add3A_67] : memref<425984xi32, #tpu.memory_space<hbm>> -> memref<512xi32, #tpu.memory_space<hbm>>
    tpu.enqueue_dma source(%dma_start3A_73 : memref<512xi32, #tpu.memory_space<hbm>>) target(%dma_start3A_72 : memref<512xi32, #tpu.memory_space<vmem>>) target_semaphore(%arg8 : memref<!tpu.dma_semaphore, #tpu.memory_space<semaphore_mem>>)
    %add3A_74 = arith.constant 147456 : i32
    %add3A_75 = arith.addi %add3A_74, %multiple_of3A : i32
    %dma_start3A_76 = arith.constant 4608 : i32
    %dma_start3A_77 = tpu.memref_slice %arg5[%dma_start3A_76] : memref<13312xi32, #tpu.memory_space<vmem>> -> memref<512xi32, #tpu.memory_space<vmem>>
    %dma_start3A_78 = tpu.memref_slice %arg3[%add3A_75] : memref<425984xi32, #tpu.memory_space<hbm>> -> memref<512xi32, #tpu.memory_space<hbm>>
    %dma_start3A_79 = arith.constant 4608 : i32
    %dma_start3A_80 = tpu.memref_slice %arg5[%dma_start3A_79] : memref<13312xi32, #tpu.memory_space<vmem>> -> memref<512xi32, #tpu.memory_space<vmem>>
    %dma_start3A_81 = tpu.memref_slice %arg3[%add3A_75] : memref<425984xi32, #tpu.memory_space<hbm>> -> memref<512xi32, #tpu.memory_space<hbm>>
    tpu.enqueue_dma source(%dma_start3A_81 : memref<512xi32, #tpu.memory_space<hbm>>) target(%dma_start3A_80 : memref<512xi32, #tpu.memory_space<vmem>>) target_semaphore(%arg8 : memref<!tpu.dma_semaphore, #tpu.memory_space<semaphore_mem>>)
    %add3A_82 = arith.constant 163840 : i32
    %add3A_83 = arith.addi %add3A_82, %multiple_of3A : i32
    %dma_start3A_84 = arith.constant 5120 : i32
    %dma_start3A_85 = tpu.memref_slice %arg5[%dma_start3A_84] : memref<13312xi32, #tpu.memory_space<vmem>> -> memref<512xi32, #tpu.memory_space<vmem>>
    %dma_start3A_86 = tpu.memref_slice %arg3[%add3A_83] : memref<425984xi32, #tpu.memory_space<hbm>> -> memref<512xi32, #tpu.memory_space<hbm>>
    %dma_start3A_87 = arith.constant 5120 : i32
    %dma_start3A_88 = tpu.memref_slice %arg5[%dma_start3A_87] : memref<13312xi32, #tpu.memory_space<vmem>> -> memref<512xi32, #tpu.memory_space<vmem>>
    %dma_start3A_89 = tpu.memref_slice %arg3[%add3A_83] : memref<425984xi32, #tpu.memory_space<hbm>> -> memref<512xi32, #tpu.memory_space<hbm>>
    tpu.enqueue_dma source(%dma_start3A_89 : memref<512xi32, #tpu.memory_space<hbm>>) target(%dma_start3A_88 : memref<512xi32, #tpu.memory_space<vmem>>) target_semaphore(%arg8 : memref<!tpu.dma_semaphore, #tpu.memory_space<semaphore_mem>>)
    %add3A_90 = arith.constant 180224 : i32
    %add3A_91 = arith.addi %add3A_90, %multiple_of3A : i32
    %dma_start3A_92 = arith.constant 5632 : i32
    %dma_start3A_93 = tpu.memref_slice %arg5[%dma_start3A_92] : memref<13312xi32, #tpu.memory_space<vmem>> -> memref<512xi32, #tpu.memory_space<vmem>>
    %dma_start3A_94 = tpu.memref_slice %arg3[%add3A_91] : memref<425984xi32, #tpu.memory_space<hbm>> -> memref<512xi32, #tpu.memory_space<hbm>>
    %dma_start3A_95 = arith.constant 5632 : i32
    %dma_start3A_96 = tpu.memref_slice %arg5[%dma_start3A_95] : memref<13312xi32, #tpu.memory_space<vmem>> -> memref<512xi32, #tpu.memory_space<vmem>>
    %dma_start3A_97 = tpu.memref_slice %arg3[%add3A_91] : memref<425984xi32, #tpu.memory_space<hbm>> -> memref<512xi32, #tpu.memory_space<hbm>>
    tpu.enqueue_dma source(%dma_start3A_97 : memref<512xi32, #tpu.memory_space<hbm>>) target(%dma_start3A_96 : memref<512xi32, #tpu.memory_space<vmem>>) target_semaphore(%arg8 : memref<!tpu.dma_semaphore, #tpu.memory_space<semaphore_mem>>)
    %add3A_98 = arith.constant 196608 : i32
    %add3A_99 = arith.addi %add3A_98, %multiple_of3A : i32
    %dma_start3A_100 = arith.constant 6144 : i32
    %dma_start3A_101 = tpu.memref_slice %arg5[%dma_start3A_100] : memref<13312xi32, #tpu.memory_space<vmem>> -> memref<512xi32, #tpu.memory_space<vmem>>
    %dma_start3A_102 = tpu.memref_slice %arg3[%add3A_99] : memref<425984xi32, #tpu.memory_space<hbm>> -> memref<512xi32, #tpu.memory_space<hbm>>
    %dma_start3A_103 = arith.constant 6144 : i32
    %dma_start3A_104 = tpu.memref_slice %arg5[%dma_start3A_103] : memref<13312xi32, #tpu.memory_space<vmem>> -> memref<512xi32, #tpu.memory_space<vmem>>
    %dma_start3A_105 = tpu.memref_slice %arg3[%add3A_99] : memref<425984xi32, #tpu.memory_space<hbm>> -> memref<512xi32, #tpu.memory_space<hbm>>
    tpu.enqueue_dma source(%dma_start3A_105 : memref<512xi32, #tpu.memory_space<hbm>>) target(%dma_start3A_104 : memref<512xi32, #tpu.memory_space<vmem>>) target_semaphore(%arg8 : memref<!tpu.dma_semaphore, #tpu.memory_space<semaphore_mem>>)
    %add3A_106 = arith.constant 212992 : i32
    %add3A_107 = arith.addi %add3A_106, %multiple_of3A : i32
    %dma_start3A_108 = arith.constant 6656 : i32
    %dma_start3A_109 = tpu.memref_slice %arg5[%dma_start3A_108] : memref<13312xi32, #tpu.memory_space<vmem>> -> memref<512xi32, #tpu.memory_space<vmem>>
    %dma_start3A_110 = tpu.memref_slice %arg3[%add3A_107] : memref<425984xi32, #tpu.memory_space<hbm>> -> memref<512xi32, #tpu.memory_space<hbm>>
    %dma_start3A_111 = arith.constant 6656 : i32
    %dma_start3A_112 = tpu.memref_slice %arg5[%dma_start3A_111] : memref<13312xi32, #tpu.memory_space<vmem>> -> memref<512xi32, #tpu.memory_space<vmem>>
    %dma_start3A_113 = tpu.memref_slice %arg3[%add3A_107] : memref<425984xi32, #tpu.memory_space<hbm>> -> memref<512xi32, #tpu.memory_space<hbm>>
    tpu.enqueue_dma source(%dma_start3A_113 : memref<512xi32, #tpu.memory_space<hbm>>) target(%dma_start3A_112 : memref<512xi32, #tpu.memory_space<vmem>>) target_semaphore(%arg8 : memref<!tpu.dma_semaphore, #tpu.memory_space<semaphore_mem>>)
    %add3A_114 = arith.constant 229376 : i32
    %add3A_115 = arith.addi %add3A_114, %multiple_of3A : i32
    %dma_start3A_116 = arith.constant 7168 : i32
    %dma_start3A_117 = tpu.memref_slice %arg5[%dma_start3A_116] : memref<13312xi32, #tpu.memory_space<vmem>> -> memref<512xi32, #tpu.memory_space<vmem>>
    %dma_start3A_118 = tpu.memref_slice %arg3[%add3A_115] : memref<425984xi32, #tpu.memory_space<hbm>> -> memref<512xi32, #tpu.memory_space<hbm>>
    %dma_start3A_119 = arith.constant 7168 : i32
    %dma_start3A_120 = tpu.memref_slice %arg5[%dma_start3A_119] : memref<13312xi32, #tpu.memory_space<vmem>> -> memref<512xi32, #tpu.memory_space<vmem>>
    %dma_start3A_121 = tpu.memref_slice %arg3[%add3A_115] : memref<425984xi32, #tpu.memory_space<hbm>> -> memref<512xi32, #tpu.memory_space<hbm>>
    tpu.enqueue_dma source(%dma_start3A_121 : memref<512xi32, #tpu.memory_space<hbm>>) target(%dma_start3A_120 : memref<512xi32, #tpu.memory_space<vmem>>) target_semaphore(%arg8 : memref<!tpu.dma_semaphore, #tpu.memory_space<semaphore_mem>>)
    %add3A_122 = arith.constant 245760 : i32
    %add3A_123 = arith.addi %add3A_122, %multiple_of3A : i32
    %dma_start3A_124 = arith.constant 7680 : i32
    %dma_start3A_125 = tpu.memref_slice %arg5[%dma_start3A_124] : memref<13312xi32, #tpu.memory_space<vmem>> -> memref<512xi32, #tpu.memory_space<vmem>>
    %dma_start3A_126 = tpu.memref_slice %arg3[%add3A_123] : memref<425984xi32, #tpu.memory_space<hbm>> -> memref<512xi32, #tpu.memory_space<hbm>>
    %dma_start3A_127 = arith.constant 7680 : i32
    %dma_start3A_128 = tpu.memref_slice %arg5[%dma_start3A_127] : memref<13312xi32, #tpu.memory_space<vmem>> -> memref<512xi32, #tpu.memory_space<vmem>>
    %dma_start3A_129 = tpu.memref_slice %arg3[%add3A_123] : memref<425984xi32, #tpu.memory_space<hbm>> -> memref<512xi32, #tpu.memory_space<hbm>>
    tpu.enqueue_dma source(%dma_start3A_129 : memref<512xi32, #tpu.memory_space<hbm>>) target(%dma_start3A_128 : memref<512xi32, #tpu.memory_space<vmem>>) target_semaphore(%arg8 : memref<!tpu.dma_semaphore, #tpu.memory_space<semaphore_mem>>)
    %add3A_130 = arith.constant 262144 : i32
    %add3A_131 = arith.addi %add3A_130, %multiple_of3A : i32
    %dma_start3A_132 = arith.constant 8192 : i32
    %dma_start3A_133 = tpu.memref_slice %arg5[%dma_start3A_132] : memref<13312xi32, #tpu.memory_space<vmem>> -> memref<512xi32, #tpu.memory_space<vmem>>
    %dma_start3A_134 = tpu.memref_slice %arg3[%add3A_131] : memref<425984xi32, #tpu.memory_space<hbm>> -> memref<512xi32, #tpu.memory_space<hbm>>
    %dma_start3A_135 = arith.constant 8192 : i32
    %dma_start3A_136 = tpu.memref_slice %arg5[%dma_start3A_135] : memref<13312xi32, #tpu.memory_space<vmem>> -> memref<512xi32, #tpu.memory_space<vmem>>
    %dma_start3A_137 = tpu.memref_slice %arg3[%add3A_131] : memref<425984xi32, #tpu.memory_space<hbm>> -> memref<512xi32, #tpu.memory_space<hbm>>
    tpu.enqueue_dma source(%dma_start3A_137 : memref<512xi32, #tpu.memory_space<hbm>>) target(%dma_start3A_136 : memref<512xi32, #tpu.memory_space<vmem>>) target_semaphore(%arg8 : memref<!tpu.dma_semaphore, #tpu.memory_space<semaphore_mem>>)
    %add3A_138 = arith.constant 278528 : i32
    %add3A_139 = arith.addi %add3A_138, %multiple_of3A : i32
    %dma_start3A_140 = arith.constant 8704 : i32
    %dma_start3A_141 = tpu.memref_slice %arg5[%dma_start3A_140] : memref<13312xi32, #tpu.memory_space<vmem>> -> memref<512xi32, #tpu.memory_space<vmem>>
    %dma_start3A_142 = tpu.memref_slice %arg3[%add3A_139] : memref<425984xi32, #tpu.memory_space<hbm>> -> memref<512xi32, #tpu.memory_space<hbm>>
    %dma_start3A_143 = arith.constant 8704 : i32
    %dma_start3A_144 = tpu.memref_slice %arg5[%dma_start3A_143] : memref<13312xi32, #tpu.memory_space<vmem>> -> memref<512xi32, #tpu.memory_space<vmem>>
    %dma_start3A_145 = tpu.memref_slice %arg3[%add3A_139] : memref<425984xi32, #tpu.memory_space<hbm>> -> memref<512xi32, #tpu.memory_space<hbm>>
    tpu.enqueue_dma source(%dma_start3A_145 : memref<512xi32, #tpu.memory_space<hbm>>) target(%dma_start3A_144 : memref<512xi32, #tpu.memory_space<vmem>>) target_semaphore(%arg8 : memref<!tpu.dma_semaphore, #tpu.memory_space<semaphore_mem>>)
    %add3A_146 = arith.constant 294912 : i32
    %add3A_147 = arith.addi %add3A_146, %multiple_of3A : i32
    %dma_start3A_148 = arith.constant 9216 : i32
    %dma_start3A_149 = tpu.memref_slice %arg5[%dma_start3A_148] : memref<13312xi32, #tpu.memory_space<vmem>> -> memref<512xi32, #tpu.memory_space<vmem>>
    %dma_start3A_150 = tpu.memref_slice %arg3[%add3A_147] : memref<425984xi32, #tpu.memory_space<hbm>> -> memref<512xi32, #tpu.memory_space<hbm>>
    %dma_start3A_151 = arith.constant 9216 : i32
    %dma_start3A_152 = tpu.memref_slice %arg5[%dma_start3A_151] : memref<13312xi32, #tpu.memory_space<vmem>> -> memref<512xi32, #tpu.memory_space<vmem>>
    %dma_start3A_153 = tpu.memref_slice %arg3[%add3A_147] : memref<425984xi32, #tpu.memory_space<hbm>> -> memref<512xi32, #tpu.memory_space<hbm>>
    tpu.enqueue_dma source(%dma_start3A_153 : memref<512xi32, #tpu.memory_space<hbm>>) target(%dma_start3A_152 : memref<512xi32, #tpu.memory_space<vmem>>) target_semaphore(%arg8 : memref<!tpu.dma_semaphore, #tpu.memory_space<semaphore_mem>>)
    %add3A_154 = arith.constant 311296 : i32
    %add3A_155 = arith.addi %add3A_154, %multiple_of3A : i32
    %dma_start3A_156 = arith.constant 9728 : i32
    %dma_start3A_157 = tpu.memref_slice %arg5[%dma_start3A_156] : memref<13312xi32, #tpu.memory_space<vmem>> -> memref<512xi32, #tpu.memory_space<vmem>>
    %dma_start3A_158 = tpu.memref_slice %arg3[%add3A_155] : memref<425984xi32, #tpu.memory_space<hbm>> -> memref<512xi32, #tpu.memory_space<hbm>>
    %dma_start3A_159 = arith.constant 9728 : i32
    %dma_start3A_160 = tpu.memref_slice %arg5[%dma_start3A_159] : memref<13312xi32, #tpu.memory_space<vmem>> -> memref<512xi32, #tpu.memory_space<vmem>>
    %dma_start3A_161 = tpu.memref_slice %arg3[%add3A_155] : memref<425984xi32, #tpu.memory_space<hbm>> -> memref<512xi32, #tpu.memory_space<hbm>>
    tpu.enqueue_dma source(%dma_start3A_161 : memref<512xi32, #tpu.memory_space<hbm>>) target(%dma_start3A_160 : memref<512xi32, #tpu.memory_space<vmem>>) target_semaphore(%arg8 : memref<!tpu.dma_semaphore, #tpu.memory_space<semaphore_mem>>)
    %add3A_162 = arith.constant 327680 : i32
    %add3A_163 = arith.addi %add3A_162, %multiple_of3A : i32
    %dma_start3A_164 = arith.constant 10240 : i32
    %dma_start3A_165 = tpu.memref_slice %arg5[%dma_start3A_164] : memref<13312xi32, #tpu.memory_space<vmem>> -> memref<512xi32, #tpu.memory_space<vmem>>
    %dma_start3A_166 = tpu.memref_slice %arg3[%add3A_163] : memref<425984xi32, #tpu.memory_space<hbm>> -> memref<512xi32, #tpu.memory_space<hbm>>
    %dma_start3A_167 = arith.constant 10240 : i32
    %dma_start3A_168 = tpu.memref_slice %arg5[%dma_start3A_167] : memref<13312xi32, #tpu.memory_space<vmem>> -> memref<512xi32, #tpu.memory_space<vmem>>
    %dma_start3A_169 = tpu.memref_slice %arg3[%add3A_163] : memref<425984xi32, #tpu.memory_space<hbm>> -> memref<512xi32, #tpu.memory_space<hbm>>
    tpu.enqueue_dma source(%dma_start3A_169 : memref<512xi32, #tpu.memory_space<hbm>>) target(%dma_start3A_168 : memref<512xi32, #tpu.memory_space<vmem>>) target_semaphore(%arg8 : memref<!tpu.dma_semaphore, #tpu.memory_space<semaphore_mem>>)
    %add3A_170 = arith.constant 344064 : i32
    %add3A_171 = arith.addi %add3A_170, %multiple_of3A : i32
    %dma_start3A_172 = arith.constant 10752 : i32
    %dma_start3A_173 = tpu.memref_slice %arg5[%dma_start3A_172] : memref<13312xi32, #tpu.memory_space<vmem>> -> memref<512xi32, #tpu.memory_space<vmem>>
    %dma_start3A_174 = tpu.memref_slice %arg3[%add3A_171] : memref<425984xi32, #tpu.memory_space<hbm>> -> memref<512xi32, #tpu.memory_space<hbm>>
    %dma_start3A_175 = arith.constant 10752 : i32
    %dma_start3A_176 = tpu.memref_slice %arg5[%dma_start3A_175] : memref<13312xi32, #tpu.memory_space<vmem>> -> memref<512xi32, #tpu.memory_space<vmem>>
    %dma_start3A_177 = tpu.memref_slice %arg3[%add3A_171] : memref<425984xi32, #tpu.memory_space<hbm>> -> memref<512xi32, #tpu.memory_space<hbm>>
    tpu.enqueue_dma source(%dma_start3A_177 : memref<512xi32, #tpu.memory_space<hbm>>) target(%dma_start3A_176 : memref<512xi32, #tpu.memory_space<vmem>>) target_semaphore(%arg8 : memref<!tpu.dma_semaphore, #tpu.memory_space<semaphore_mem>>)
    %add3A_178 = arith.constant 360448 : i32
    %add3A_179 = arith.addi %add3A_178, %multiple_of3A : i32
    %dma_start3A_180 = arith.constant 11264 : i32
    %dma_start3A_181 = tpu.memref_slice %arg5[%dma_start3A_180] : memref<13312xi32, #tpu.memory_space<vmem>> -> memref<512xi32, #tpu.memory_space<vmem>>
    %dma_start3A_182 = tpu.memref_slice %arg3[%add3A_179] : memref<425984xi32, #tpu.memory_space<hbm>> -> memref<512xi32, #tpu.memory_space<hbm>>
    %dma_start3A_183 = arith.constant 11264 : i32
    %dma_start3A_184 = tpu.memref_slice %arg5[%dma_start3A_183] : memref<13312xi32, #tpu.memory_space<vmem>> -> memref<512xi32, #tpu.memory_space<vmem>>
    %dma_start3A_185 = tpu.memref_slice %arg3[%add3A_179] : memref<425984xi32, #tpu.memory_space<hbm>> -> memref<512xi32, #tpu.memory_space<hbm>>
    tpu.enqueue_dma source(%dma_start3A_185 : memref<512xi32, #tpu.memory_space<hbm>>) target(%dma_start3A_184 : memref<512xi32, #tpu.memory_space<vmem>>) target_semaphore(%arg8 : memref<!tpu.dma_semaphore, #tpu.memory_space<semaphore_mem>>)
    %add3A_186 = arith.constant 376832 : i32
    %add3A_187 = arith.addi %add3A_186, %multiple_of3A : i32
    %dma_start3A_188 = arith.constant 11776 : i32
    %dma_start3A_189 = tpu.memref_slice %arg5[%dma_start3A_188] : memref<13312xi32, #tpu.memory_space<vmem>> -> memref<512xi32, #tpu.memory_space<vmem>>
    %dma_start3A_190 = tpu.memref_slice %arg3[%add3A_187] : memref<425984xi32, #tpu.memory_space<hbm>> -> memref<512xi32, #tpu.memory_space<hbm>>
    %dma_start3A_191 = arith.constant 11776 : i32
    %dma_start3A_192 = tpu.memref_slice %arg5[%dma_start3A_191] : memref<13312xi32, #tpu.memory_space<vmem>> -> memref<512xi32, #tpu.memory_space<vmem>>
    %dma_start3A_193 = tpu.memref_slice %arg3[%add3A_187] : memref<425984xi32, #tpu.memory_space<hbm>> -> memref<512xi32, #tpu.memory_space<hbm>>
    tpu.enqueue_dma source(%dma_start3A_193 : memref<512xi32, #tpu.memory_space<hbm>>) target(%dma_start3A_192 : memref<512xi32, #tpu.memory_space<vmem>>) target_semaphore(%arg8 : memref<!tpu.dma_semaphore, #tpu.memory_space<semaphore_mem>>)
    %add3A_194 = arith.constant 393216 : i32
    %add3A_195 = arith.addi %add3A_194, %multiple_of3A : i32
    %dma_start3A_196 = arith.constant 12288 : i32
    %dma_start3A_197 = tpu.memref_slice %arg5[%dma_start3A_196] : memref<13312xi32, #tpu.memory_space<vmem>> -> memref<512xi32, #tpu.memory_space<vmem>>
    %dma_start3A_198 = tpu.memref_slice %arg3[%add3A_195] : memref<425984xi32, #tpu.memory_space<hbm>> -> memref<512xi32, #tpu.memory_space<hbm>>
    %dma_start3A_199 = arith.constant 12288 : i32
    %dma_start3A_200 = tpu.memref_slice %arg5[%dma_start3A_199] : memref<13312xi32, #tpu.memory_space<vmem>> -> memref<512xi32, #tpu.memory_space<vmem>>
    %dma_start3A_201 = tpu.memref_slice %arg3[%add3A_195] : memref<425984xi32, #tpu.memory_space<hbm>> -> memref<512xi32, #tpu.memory_space<hbm>>
    tpu.enqueue_dma source(%dma_start3A_201 : memref<512xi32, #tpu.memory_space<hbm>>) target(%dma_start3A_200 : memref<512xi32, #tpu.memory_space<vmem>>) target_semaphore(%arg8 : memref<!tpu.dma_semaphore, #tpu.memory_space<semaphore_mem>>)
    %add3A_202 = arith.constant 409600 : i32
    %add3A_203 = arith.addi %add3A_202, %multiple_of3A : i32
    %dma_start3A_204 = arith.constant 12800 : i32
    %dma_start3A_205 = tpu.memref_slice %arg5[%dma_start3A_204] : memref<13312xi32, #tpu.memory_space<vmem>> -> memref<512xi32, #tpu.memory_space<vmem>>
    %dma_start3A_206 = tpu.memref_slice %arg3[%add3A_203] : memref<425984xi32, #tpu.memory_space<hbm>> -> memref<512xi32, #tpu.memory_space<hbm>>
    %dma_start3A_207 = arith.constant 12800 : i32
    %dma_start3A_208 = tpu.memref_slice %arg5[%dma_start3A_207] : memref<13312xi32, #tpu.memory_space<vmem>> -> memref<512xi32, #tpu.memory_space<vmem>>
    %dma_start3A_209 = tpu.memref_slice %arg3[%add3A_203] : memref<425984xi32, #tpu.memory_space<hbm>> -> memref<512xi32, #tpu.memory_space<hbm>>
    tpu.enqueue_dma source(%dma_start3A_209 : memref<512xi32, #tpu.memory_space<hbm>>) target(%dma_start3A_208 : memref<512xi32, #tpu.memory_space<vmem>>) target_semaphore(%arg8 : memref<!tpu.dma_semaphore, #tpu.memory_space<semaphore_mem>>)
    %add3A_210 = arith.constant 0 : i32
    %add3A_211 = arith.addi %add3A_210, %multiple_of3A : i32
    %dma_wait3A = arith.constant 0 : i32
    %dma_wait3A_212 = tpu.memref_slice %arg5[%dma_wait3A] : memref<13312xi32, #tpu.memory_space<vmem>> -> memref<512xi32, #tpu.memory_space<vmem>>
    %dma_wait3A_213 = tpu.memref_slice %arg3[%add3A_211] : memref<425984xi32, #tpu.memory_space<hbm>> -> memref<512xi32, #tpu.memory_space<hbm>>
    %dma_wait3A_214 = arith.constant 0 : i32
    %dma_wait3A_215 = tpu.memref_slice %arg5[%dma_wait3A_214] : memref<13312xi32, #tpu.memory_space<vmem>> -> memref<512xi32, #tpu.memory_space<vmem>>
    %dma_wait3A_216 = tpu.memref_slice %arg3[%add3A_211] : memref<425984xi32, #tpu.memory_space<hbm>> -> memref<512xi32, #tpu.memory_space<hbm>>
    tpu.wait_dma2 semaphore(%arg8 : memref<!tpu.dma_semaphore, #tpu.memory_space<semaphore_mem>>) src(%dma_wait3A_216 : memref<512xi32, #tpu.memory_space<hbm>>) dst(%dma_wait3A_215 : memref<512xi32, #tpu.memory_space<vmem>>)
    %add3A_217 = arith.constant 16384 : i32
    %add3A_218 = arith.addi %add3A_217, %multiple_of3A : i32
    %dma_wait3A_219 = arith.constant 512 : i32
    %dma_wait3A_220 = tpu.memref_slice %arg5[%dma_wait3A_219] : memref<13312xi32, #tpu.memory_space<vmem>> -> memref<512xi32, #tpu.memory_space<vmem>>
    %dma_wait3A_221 = tpu.memref_slice %arg3[%add3A_218] : memref<425984xi32, #tpu.memory_space<hbm>> -> memref<512xi32, #tpu.memory_space<hbm>>
    %dma_wait3A_222 = arith.constant 512 : i32
    %dma_wait3A_223 = tpu.memref_slice %arg5[%dma_wait3A_222] : memref<13312xi32, #tpu.memory_space<vmem>> -> memref<512xi32, #tpu.memory_space<vmem>>
    %dma_wait3A_224 = tpu.memref_slice %arg3[%add3A_218] : memref<425984xi32, #tpu.memory_space<hbm>> -> memref<512xi32, #tpu.memory_space<hbm>>
    tpu.wait_dma2 semaphore(%arg8 : memref<!tpu.dma_semaphore, #tpu.memory_space<semaphore_mem>>) src(%dma_wait3A_224 : memref<512xi32, #tpu.memory_space<hbm>>) dst(%dma_wait3A_223 : memref<512xi32, #tpu.memory_space<vmem>>)
    %add3A_225 = arith.constant 32768 : i32
    %add3A_226 = arith.addi %add3A_225, %multiple_of3A : i32
    %dma_wait3A_227 = arith.constant 1024 : i32
    %dma_wait3A_228 = tpu.memref_slice %arg5[%dma_wait3A_227] : memref<13312xi32, #tpu.memory_space<vmem>> -> memref<512xi32, #tpu.memory_space<vmem>>
    %dma_wait3A_229 = tpu.memref_slice %arg3[%add3A_226] : memref<425984xi32, #tpu.memory_space<hbm>> -> memref<512xi32, #tpu.memory_space<hbm>>
    %dma_wait3A_230 = arith.constant 1024 : i32
    %dma_wait3A_231 = tpu.memref_slice %arg5[%dma_wait3A_230] : memref<13312xi32, #tpu.memory_space<vmem>> -> memref<512xi32, #tpu.memory_space<vmem>>
    %dma_wait3A_232 = tpu.memref_slice %arg3[%add3A_226] : memref<425984xi32, #tpu.memory_space<hbm>> -> memref<512xi32, #tpu.memory_space<hbm>>
    tpu.wait_dma2 semaphore(%arg8 : memref<!tpu.dma_semaphore, #tpu.memory_space<semaphore_mem>>) src(%dma_wait3A_232 : memref<512xi32, #tpu.memory_space<hbm>>) dst(%dma_wait3A_231 : memref<512xi32, #tpu.memory_space<vmem>>)
    %add3A_233 = arith.constant 49152 : i32
    %add3A_234 = arith.addi %add3A_233, %multiple_of3A : i32
    %dma_wait3A_235 = arith.constant 1536 : i32
    %dma_wait3A_236 = tpu.memref_slice %arg5[%dma_wait3A_235] : memref<13312xi32, #tpu.memory_space<vmem>> -> memref<512xi32, #tpu.memory_space<vmem>>
    %dma_wait3A_237 = tpu.memref_slice %arg3[%add3A_234] : memref<425984xi32, #tpu.memory_space<hbm>> -> memref<512xi32, #tpu.memory_space<hbm>>
    %dma_wait3A_238 = arith.constant 1536 : i32
    %dma_wait3A_239 = tpu.memref_slice %arg5[%dma_wait3A_238] : memref<13312xi32, #tpu.memory_space<vmem>> -> memref<512xi32, #tpu.memory_space<vmem>>
    %dma_wait3A_240 = tpu.memref_slice %arg3[%add3A_234] : memref<425984xi32, #tpu.memory_space<hbm>> -> memref<512xi32, #tpu.memory_space<hbm>>
    tpu.wait_dma2 semaphore(%arg8 : memref<!tpu.dma_semaphore, #tpu.memory_space<semaphore_mem>>) src(%dma_wait3A_240 : memref<512xi32, #tpu.memory_space<hbm>>) dst(%dma_wait3A_239 : memref<512xi32, #tpu.memory_space<vmem>>)
    %add3A_241 = arith.constant 65536 : i32
    %add3A_242 = arith.addi %add3A_241, %multiple_of3A : i32
    %dma_wait3A_243 = arith.constant 2048 : i32
    %dma_wait3A_244 = tpu.memref_slice %arg5[%dma_wait3A_243] : memref<13312xi32, #tpu.memory_space<vmem>> -> memref<512xi32, #tpu.memory_space<vmem>>
    %dma_wait3A_245 = tpu.memref_slice %arg3[%add3A_242] : memref<425984xi32, #tpu.memory_space<hbm>> -> memref<512xi32, #tpu.memory_space<hbm>>
    %dma_wait3A_246 = arith.constant 2048 : i32
    %dma_wait3A_247 = tpu.memref_slice %arg5[%dma_wait3A_246] : memref<13312xi32, #tpu.memory_space<vmem>> -> memref<512xi32, #tpu.memory_space<vmem>>
    %dma_wait3A_248 = tpu.memref_slice %arg3[%add3A_242] : memref<425984xi32, #tpu.memory_space<hbm>> -> memref<512xi32, #tpu.memory_space<hbm>>
    tpu.wait_dma2 semaphore(%arg8 : memref<!tpu.dma_semaphore, #tpu.memory_space<semaphore_mem>>) src(%dma_wait3A_248 : memref<512xi32, #tpu.memory_space<hbm>>) dst(%dma_wait3A_247 : memref<512xi32, #tpu.memory_space<vmem>>)
    %add3A_249 = arith.constant 81920 : i32
    %add3A_250 = arith.addi %add3A_249, %multiple_of3A : i32
    %dma_wait3A_251 = arith.constant 2560 : i32
    %dma_wait3A_252 = tpu.memref_slice %arg5[%dma_wait3A_251] : memref<13312xi32, #tpu.memory_space<vmem>> -> memref<512xi32, #tpu.memory_space<vmem>>
    %dma_wait3A_253 = tpu.memref_slice %arg3[%add3A_250] : memref<425984xi32, #tpu.memory_space<hbm>> -> memref<512xi32, #tpu.memory_space<hbm>>
    %dma_wait3A_254 = arith.constant 2560 : i32
    %dma_wait3A_255 = tpu.memref_slice %arg5[%dma_wait3A_254] : memref<13312xi32, #tpu.memory_space<vmem>> -> memref<512xi32, #tpu.memory_space<vmem>>
    %dma_wait3A_256 = tpu.memref_slice %arg3[%add3A_250] : memref<425984xi32, #tpu.memory_space<hbm>> -> memref<512xi32, #tpu.memory_space<hbm>>
    tpu.wait_dma2 semaphore(%arg8 : memref<!tpu.dma_semaphore, #tpu.memory_space<semaphore_mem>>) src(%dma_wait3A_256 : memref<512xi32, #tpu.memory_space<hbm>>) dst(%dma_wait3A_255 : memref<512xi32, #tpu.memory_space<vmem>>)
    %add3A_257 = arith.constant 98304 : i32
    %add3A_258 = arith.addi %add3A_257, %multiple_of3A : i32
    %dma_wait3A_259 = arith.constant 3072 : i32
    %dma_wait3A_260 = tpu.memref_slice %arg5[%dma_wait3A_259] : memref<13312xi32, #tpu.memory_space<vmem>> -> memref<512xi32, #tpu.memory_space<vmem>>
    %dma_wait3A_261 = tpu.memref_slice %arg3[%add3A_258] : memref<425984xi32, #tpu.memory_space<hbm>> -> memref<512xi32, #tpu.memory_space<hbm>>
    %dma_wait3A_262 = arith.constant 3072 : i32
    %dma_wait3A_263 = tpu.memref_slice %arg5[%dma_wait3A_262] : memref<13312xi32, #tpu.memory_space<vmem>> -> memref<512xi32, #tpu.memory_space<vmem>>
    %dma_wait3A_264 = tpu.memref_slice %arg3[%add3A_258] : memref<425984xi32, #tpu.memory_space<hbm>> -> memref<512xi32, #tpu.memory_space<hbm>>
    tpu.wait_dma2 semaphore(%arg8 : memref<!tpu.dma_semaphore, #tpu.memory_space<semaphore_mem>>) src(%dma_wait3A_264 : memref<512xi32, #tpu.memory_space<hbm>>) dst(%dma_wait3A_263 : memref<512xi32, #tpu.memory_space<vmem>>)
    %add3A_265 = arith.constant 114688 : i32
    %add3A_266 = arith.addi %add3A_265, %multiple_of3A : i32
    %dma_wait3A_267 = arith.constant 3584 : i32
    %dma_wait3A_268 = tpu.memref_slice %arg5[%dma_wait3A_267] : memref<13312xi32, #tpu.memory_space<vmem>> -> memref<512xi32, #tpu.memory_space<vmem>>
    %dma_wait3A_269 = tpu.memref_slice %arg3[%add3A_266] : memref<425984xi32, #tpu.memory_space<hbm>> -> memref<512xi32, #tpu.memory_space<hbm>>
    %dma_wait3A_270 = arith.constant 3584 : i32
    %dma_wait3A_271 = tpu.memref_slice %arg5[%dma_wait3A_270] : memref<13312xi32, #tpu.memory_space<vmem>> -> memref<512xi32, #tpu.memory_space<vmem>>
    %dma_wait3A_272 = tpu.memref_slice %arg3[%add3A_266] : memref<425984xi32, #tpu.memory_space<hbm>> -> memref<512xi32, #tpu.memory_space<hbm>>
    tpu.wait_dma2 semaphore(%arg8 : memref<!tpu.dma_semaphore, #tpu.memory_space<semaphore_mem>>) src(%dma_wait3A_272 : memref<512xi32, #tpu.memory_space<hbm>>) dst(%dma_wait3A_271 : memref<512xi32, #tpu.memory_space<vmem>>)
    %add3A_273 = arith.constant 131072 : i32
    %add3A_274 = arith.addi %add3A_273, %multiple_of3A : i32
    %dma_wait3A_275 = arith.constant 4096 : i32
    %dma_wait3A_276 = tpu.memref_slice %arg5[%dma_wait3A_275] : memref<13312xi32, #tpu.memory_space<vmem>> -> memref<512xi32, #tpu.memory_space<vmem>>
    %dma_wait3A_277 = tpu.memref_slice %arg3[%add3A_274] : memref<425984xi32, #tpu.memory_space<hbm>> -> memref<512xi32, #tpu.memory_space<hbm>>
    %dma_wait3A_278 = arith.constant 4096 : i32
    %dma_wait3A_279 = tpu.memref_slice %arg5[%dma_wait3A_278] : memref<13312xi32, #tpu.memory_space<vmem>> -> memref<512xi32, #tpu.memory_space<vmem>>
    %dma_wait3A_280 = tpu.memref_slice %arg3[%add3A_274] : memref<425984xi32, #tpu.memory_space<hbm>> -> memref<512xi32, #tpu.memory_space<hbm>>
    tpu.wait_dma2 semaphore(%arg8 : memref<!tpu.dma_semaphore, #tpu.memory_space<semaphore_mem>>) src(%dma_wait3A_280 : memref<512xi32, #tpu.memory_space<hbm>>) dst(%dma_wait3A_279 : memref<512xi32, #tpu.memory_space<vmem>>)
    %add3A_281 = arith.constant 147456 : i32
    %add3A_282 = arith.addi %add3A_281, %multiple_of3A : i32
    %dma_wait3A_283 = arith.constant 4608 : i32
    %dma_wait3A_284 = tpu.memref_slice %arg5[%dma_wait3A_283] : memref<13312xi32, #tpu.memory_space<vmem>> -> memref<512xi32, #tpu.memory_space<vmem>>
    %dma_wait3A_285 = tpu.memref_slice %arg3[%add3A_282] : memref<425984xi32, #tpu.memory_space<hbm>> -> memref<512xi32, #tpu.memory_space<hbm>>
    %dma_wait3A_286 = arith.constant 4608 : i32
    %dma_wait3A_287 = tpu.memref_slice %arg5[%dma_wait3A_286] : memref<13312xi32, #tpu.memory_space<vmem>> -> memref<512xi32, #tpu.memory_space<vmem>>
    %dma_wait3A_288 = tpu.memref_slice %arg3[%add3A_282] : memref<425984xi32, #tpu.memory_space<hbm>> -> memref<512xi32, #tpu.memory_space<hbm>>
    tpu.wait_dma2 semaphore(%arg8 : memref<!tpu.dma_semaphore, #tpu.memory_space<semaphore_mem>>) src(%dma_wait3A_288 : memref<512xi32, #tpu.memory_space<hbm>>) dst(%dma_wait3A_287 : memref<512xi32, #tpu.memory_space<vmem>>)
    %add3A_289 = arith.constant 163840 : i32
    %add3A_290 = arith.addi %add3A_289, %multiple_of3A : i32
    %dma_wait3A_291 = arith.constant 5120 : i32
    %dma_wait3A_292 = tpu.memref_slice %arg5[%dma_wait3A_291] : memref<13312xi32, #tpu.memory_space<vmem>> -> memref<512xi32, #tpu.memory_space<vmem>>
    %dma_wait3A_293 = tpu.memref_slice %arg3[%add3A_290] : memref<425984xi32, #tpu.memory_space<hbm>> -> memref<512xi32, #tpu.memory_space<hbm>>
    %dma_wait3A_294 = arith.constant 5120 : i32
    %dma_wait3A_295 = tpu.memref_slice %arg5[%dma_wait3A_294] : memref<13312xi32, #tpu.memory_space<vmem>> -> memref<512xi32, #tpu.memory_space<vmem>>
    %dma_wait3A_296 = tpu.memref_slice %arg3[%add3A_290] : memref<425984xi32, #tpu.memory_space<hbm>> -> memref<512xi32, #tpu.memory_space<hbm>>
    tpu.wait_dma2 semaphore(%arg8 : memref<!tpu.dma_semaphore, #tpu.memory_space<semaphore_mem>>) src(%dma_wait3A_296 : memref<512xi32, #tpu.memory_space<hbm>>) dst(%dma_wait3A_295 : memref<512xi32, #tpu.memory_space<vmem>>)
    %add3A_297 = arith.constant 180224 : i32
    %add3A_298 = arith.addi %add3A_297, %multiple_of3A : i32
    %dma_wait3A_299 = arith.constant 5632 : i32
    %dma_wait3A_300 = tpu.memref_slice %arg5[%dma_wait3A_299] : memref<13312xi32, #tpu.memory_space<vmem>> -> memref<512xi32, #tpu.memory_space<vmem>>
    %dma_wait3A_301 = tpu.memref_slice %arg3[%add3A_298] : memref<425984xi32, #tpu.memory_space<hbm>> -> memref<512xi32, #tpu.memory_space<hbm>>
    %dma_wait3A_302 = arith.constant 5632 : i32
    %dma_wait3A_303 = tpu.memref_slice %arg5[%dma_wait3A_302] : memref<13312xi32, #tpu.memory_space<vmem>> -> memref<512xi32, #tpu.memory_space<vmem>>
    %dma_wait3A_304 = tpu.memref_slice %arg3[%add3A_298] : memref<425984xi32, #tpu.memory_space<hbm>> -> memref<512xi32, #tpu.memory_space<hbm>>
    tpu.wait_dma2 semaphore(%arg8 : memref<!tpu.dma_semaphore, #tpu.memory_space<semaphore_mem>>) src(%dma_wait3A_304 : memref<512xi32, #tpu.memory_space<hbm>>) dst(%dma_wait3A_303 : memref<512xi32, #tpu.memory_space<vmem>>)
    %add3A_305 = arith.constant 196608 : i32
    %add3A_306 = arith.addi %add3A_305, %multiple_of3A : i32
    %dma_wait3A_307 = arith.constant 6144 : i32
    %dma_wait3A_308 = tpu.memref_slice %arg5[%dma_wait3A_307] : memref<13312xi32, #tpu.memory_space<vmem>> -> memref<512xi32, #tpu.memory_space<vmem>>
    %dma_wait3A_309 = tpu.memref_slice %arg3[%add3A_306] : memref<425984xi32, #tpu.memory_space<hbm>> -> memref<512xi32, #tpu.memory_space<hbm>>
    %dma_wait3A_310 = arith.constant 6144 : i32
    %dma_wait3A_311 = tpu.memref_slice %arg5[%dma_wait3A_310] : memref<13312xi32, #tpu.memory_space<vmem>> -> memref<512xi32, #tpu.memory_space<vmem>>
    %dma_wait3A_312 = tpu.memref_slice %arg3[%add3A_306] : memref<425984xi32, #tpu.memory_space<hbm>> -> memref<512xi32, #tpu.memory_space<hbm>>
    tpu.wait_dma2 semaphore(%arg8 : memref<!tpu.dma_semaphore, #tpu.memory_space<semaphore_mem>>) src(%dma_wait3A_312 : memref<512xi32, #tpu.memory_space<hbm>>) dst(%dma_wait3A_311 : memref<512xi32, #tpu.memory_space<vmem>>)
    %add3A_313 = arith.constant 212992 : i32
    %add3A_314 = arith.addi %add3A_313, %multiple_of3A : i32
    %dma_wait3A_315 = arith.constant 6656 : i32
    %dma_wait3A_316 = tpu.memref_slice %arg5[%dma_wait3A_315] : memref<13312xi32, #tpu.memory_space<vmem>> -> memref<512xi32, #tpu.memory_space<vmem>>
    %dma_wait3A_317 = tpu.memref_slice %arg3[%add3A_314] : memref<425984xi32, #tpu.memory_space<hbm>> -> memref<512xi32, #tpu.memory_space<hbm>>
    %dma_wait3A_318 = arith.constant 6656 : i32
    %dma_wait3A_319 = tpu.memref_slice %arg5[%dma_wait3A_318] : memref<13312xi32, #tpu.memory_space<vmem>> -> memref<512xi32, #tpu.memory_space<vmem>>
    %dma_wait3A_320 = tpu.memref_slice %arg3[%add3A_314] : memref<425984xi32, #tpu.memory_space<hbm>> -> memref<512xi32, #tpu.memory_space<hbm>>
    tpu.wait_dma2 semaphore(%arg8 : memref<!tpu.dma_semaphore, #tpu.memory_space<semaphore_mem>>) src(%dma_wait3A_320 : memref<512xi32, #tpu.memory_space<hbm>>) dst(%dma_wait3A_319 : memref<512xi32, #tpu.memory_space<vmem>>)
    %add3A_321 = arith.constant 229376 : i32
    %add3A_322 = arith.addi %add3A_321, %multiple_of3A : i32
    %dma_wait3A_323 = arith.constant 7168 : i32
    %dma_wait3A_324 = tpu.memref_slice %arg5[%dma_wait3A_323] : memref<13312xi32, #tpu.memory_space<vmem>> -> memref<512xi32, #tpu.memory_space<vmem>>
    %dma_wait3A_325 = tpu.memref_slice %arg3[%add3A_322] : memref<425984xi32, #tpu.memory_space<hbm>> -> memref<512xi32, #tpu.memory_space<hbm>>
    %dma_wait3A_326 = arith.constant 7168 : i32
    %dma_wait3A_327 = tpu.memref_slice %arg5[%dma_wait3A_326] : memref<13312xi32, #tpu.memory_space<vmem>> -> memref<512xi32, #tpu.memory_space<vmem>>
    %dma_wait3A_328 = tpu.memref_slice %arg3[%add3A_322] : memref<425984xi32, #tpu.memory_space<hbm>> -> memref<512xi32, #tpu.memory_space<hbm>>
    tpu.wait_dma2 semaphore(%arg8 : memref<!tpu.dma_semaphore, #tpu.memory_space<semaphore_mem>>) src(%dma_wait3A_328 : memref<512xi32, #tpu.memory_space<hbm>>) dst(%dma_wait3A_327 : memref<512xi32, #tpu.memory_space<vmem>>)
    %add3A_329 = arith.constant 245760 : i32
    %add3A_330 = arith.addi %add3A_329, %multiple_of3A : i32
    %dma_wait3A_331 = arith.constant 7680 : i32
    %dma_wait3A_332 = tpu.memref_slice %arg5[%dma_wait3A_331] : memref<13312xi32, #tpu.memory_space<vmem>> -> memref<512xi32, #tpu.memory_space<vmem>>
    %dma_wait3A_333 = tpu.memref_slice %arg3[%add3A_330] : memref<425984xi32, #tpu.memory_space<hbm>> -> memref<512xi32, #tpu.memory_space<hbm>>
    %dma_wait3A_334 = arith.constant 7680 : i32
    %dma_wait3A_335 = tpu.memref_slice %arg5[%dma_wait3A_334] : memref<13312xi32, #tpu.memory_space<vmem>> -> memref<512xi32, #tpu.memory_space<vmem>>
    %dma_wait3A_336 = tpu.memref_slice %arg3[%add3A_330] : memref<425984xi32, #tpu.memory_space<hbm>> -> memref<512xi32, #tpu.memory_space<hbm>>
    tpu.wait_dma2 semaphore(%arg8 : memref<!tpu.dma_semaphore, #tpu.memory_space<semaphore_mem>>) src(%dma_wait3A_336 : memref<512xi32, #tpu.memory_space<hbm>>) dst(%dma_wait3A_335 : memref<512xi32, #tpu.memory_space<vmem>>)
    %add3A_337 = arith.constant 262144 : i32
    %add3A_338 = arith.addi %add3A_337, %multiple_of3A : i32
    %dma_wait3A_339 = arith.constant 8192 : i32
    %dma_wait3A_340 = tpu.memref_slice %arg5[%dma_wait3A_339] : memref<13312xi32, #tpu.memory_space<vmem>> -> memref<512xi32, #tpu.memory_space<vmem>>
    %dma_wait3A_341 = tpu.memref_slice %arg3[%add3A_338] : memref<425984xi32, #tpu.memory_space<hbm>> -> memref<512xi32, #tpu.memory_space<hbm>>
    %dma_wait3A_342 = arith.constant 8192 : i32
    %dma_wait3A_343 = tpu.memref_slice %arg5[%dma_wait3A_342] : memref<13312xi32, #tpu.memory_space<vmem>> -> memref<512xi32, #tpu.memory_space<vmem>>
    %dma_wait3A_344 = tpu.memref_slice %arg3[%add3A_338] : memref<425984xi32, #tpu.memory_space<hbm>> -> memref<512xi32, #tpu.memory_space<hbm>>
    tpu.wait_dma2 semaphore(%arg8 : memref<!tpu.dma_semaphore, #tpu.memory_space<semaphore_mem>>) src(%dma_wait3A_344 : memref<512xi32, #tpu.memory_space<hbm>>) dst(%dma_wait3A_343 : memref<512xi32, #tpu.memory_space<vmem>>)
    %add3A_345 = arith.constant 278528 : i32
    %add3A_346 = arith.addi %add3A_345, %multiple_of3A : i32
    %dma_wait3A_347 = arith.constant 8704 : i32
    %dma_wait3A_348 = tpu.memref_slice %arg5[%dma_wait3A_347] : memref<13312xi32, #tpu.memory_space<vmem>> -> memref<512xi32, #tpu.memory_space<vmem>>
    %dma_wait3A_349 = tpu.memref_slice %arg3[%add3A_346] : memref<425984xi32, #tpu.memory_space<hbm>> -> memref<512xi32, #tpu.memory_space<hbm>>
    %dma_wait3A_350 = arith.constant 8704 : i32
    %dma_wait3A_351 = tpu.memref_slice %arg5[%dma_wait3A_350] : memref<13312xi32, #tpu.memory_space<vmem>> -> memref<512xi32, #tpu.memory_space<vmem>>
    %dma_wait3A_352 = tpu.memref_slice %arg3[%add3A_346] : memref<425984xi32, #tpu.memory_space<hbm>> -> memref<512xi32, #tpu.memory_space<hbm>>
    tpu.wait_dma2 semaphore(%arg8 : memref<!tpu.dma_semaphore, #tpu.memory_space<semaphore_mem>>) src(%dma_wait3A_352 : memref<512xi32, #tpu.memory_space<hbm>>) dst(%dma_wait3A_351 : memref<512xi32, #tpu.memory_space<vmem>>)
    %add3A_353 = arith.constant 294912 : i32
    %add3A_354 = arith.addi %add3A_353, %multiple_of3A : i32
    %dma_wait3A_355 = arith.constant 9216 : i32
    %dma_wait3A_356 = tpu.memref_slice %arg5[%dma_wait3A_355] : memref<13312xi32, #tpu.memory_space<vmem>> -> memref<512xi32, #tpu.memory_space<vmem>>
    %dma_wait3A_357 = tpu.memref_slice %arg3[%add3A_354] : memref<425984xi32, #tpu.memory_space<hbm>> -> memref<512xi32, #tpu.memory_space<hbm>>
    %dma_wait3A_358 = arith.constant 9216 : i32
    %dma_wait3A_359 = tpu.memref_slice %arg5[%dma_wait3A_358] : memref<13312xi32, #tpu.memory_space<vmem>> -> memref<512xi32, #tpu.memory_space<vmem>>
    %dma_wait3A_360 = tpu.memref_slice %arg3[%add3A_354] : memref<425984xi32, #tpu.memory_space<hbm>> -> memref<512xi32, #tpu.memory_space<hbm>>
    tpu.wait_dma2 semaphore(%arg8 : memref<!tpu.dma_semaphore, #tpu.memory_space<semaphore_mem>>) src(%dma_wait3A_360 : memref<512xi32, #tpu.memory_space<hbm>>) dst(%dma_wait3A_359 : memref<512xi32, #tpu.memory_space<vmem>>)
    %add3A_361 = arith.constant 311296 : i32
    %add3A_362 = arith.addi %add3A_361, %multiple_of3A : i32
    %dma_wait3A_363 = arith.constant 9728 : i32
    %dma_wait3A_364 = tpu.memref_slice %arg5[%dma_wait3A_363] : memref<13312xi32, #tpu.memory_space<vmem>> -> memref<512xi32, #tpu.memory_space<vmem>>
    %dma_wait3A_365 = tpu.memref_slice %arg3[%add3A_362] : memref<425984xi32, #tpu.memory_space<hbm>> -> memref<512xi32, #tpu.memory_space<hbm>>
    %dma_wait3A_366 = arith.constant 9728 : i32
    %dma_wait3A_367 = tpu.memref_slice %arg5[%dma_wait3A_366] : memref<13312xi32, #tpu.memory_space<vmem>> -> memref<512xi32, #tpu.memory_space<vmem>>
    %dma_wait3A_368 = tpu.memref_slice %arg3[%add3A_362] : memref<425984xi32, #tpu.memory_space<hbm>> -> memref<512xi32, #tpu.memory_space<hbm>>
    tpu.wait_dma2 semaphore(%arg8 : memref<!tpu.dma_semaphore, #tpu.memory_space<semaphore_mem>>) src(%dma_wait3A_368 : memref<512xi32, #tpu.memory_space<hbm>>) dst(%dma_wait3A_367 : memref<512xi32, #tpu.memory_space<vmem>>)
    %add3A_369 = arith.constant 327680 : i32
    %add3A_370 = arith.addi %add3A_369, %multiple_of3A : i32
    %dma_wait3A_371 = arith.constant 10240 : i32
    %dma_wait3A_372 = tpu.memref_slice %arg5[%dma_wait3A_371] : memref<13312xi32, #tpu.memory_space<vmem>> -> memref<512xi32, #tpu.memory_space<vmem>>
    %dma_wait3A_373 = tpu.memref_slice %arg3[%add3A_370] : memref<425984xi32, #tpu.memory_space<hbm>> -> memref<512xi32, #tpu.memory_space<hbm>>
    %dma_wait3A_374 = arith.constant 10240 : i32
    %dma_wait3A_375 = tpu.memref_slice %arg5[%dma_wait3A_374] : memref<13312xi32, #tpu.memory_space<vmem>> -> memref<512xi32, #tpu.memory_space<vmem>>
    %dma_wait3A_376 = tpu.memref_slice %arg3[%add3A_370] : memref<425984xi32, #tpu.memory_space<hbm>> -> memref<512xi32, #tpu.memory_space<hbm>>
    tpu.wait_dma2 semaphore(%arg8 : memref<!tpu.dma_semaphore, #tpu.memory_space<semaphore_mem>>) src(%dma_wait3A_376 : memref<512xi32, #tpu.memory_space<hbm>>) dst(%dma_wait3A_375 : memref<512xi32, #tpu.memory_space<vmem>>)
    %add3A_377 = arith.constant 344064 : i32
    %add3A_378 = arith.addi %add3A_377, %multiple_of3A : i32
    %dma_wait3A_379 = arith.constant 10752 : i32
    %dma_wait3A_380 = tpu.memref_slice %arg5[%dma_wait3A_379] : memref<13312xi32, #tpu.memory_space<vmem>> -> memref<512xi32, #tpu.memory_space<vmem>>
    %dma_wait3A_381 = tpu.memref_slice %arg3[%add3A_378] : memref<425984xi32, #tpu.memory_space<hbm>> -> memref<512xi32, #tpu.memory_space<hbm>>
    %dma_wait3A_382 = arith.constant 10752 : i32
    %dma_wait3A_383 = tpu.memref_slice %arg5[%dma_wait3A_382] : memref<13312xi32, #tpu.memory_space<vmem>> -> memref<512xi32, #tpu.memory_space<vmem>>
    %dma_wait3A_384 = tpu.memref_slice %arg3[%add3A_378] : memref<425984xi32, #tpu.memory_space<hbm>> -> memref<512xi32, #tpu.memory_space<hbm>>
    tpu.wait_dma2 semaphore(%arg8 : memref<!tpu.dma_semaphore, #tpu.memory_space<semaphore_mem>>) src(%dma_wait3A_384 : memref<512xi32, #tpu.memory_space<hbm>>) dst(%dma_wait3A_383 : memref<512xi32, #tpu.memory_space<vmem>>)
    %add3A_385 = arith.constant 360448 : i32
    %add3A_386 = arith.addi %add3A_385, %multiple_of3A : i32
    %dma_wait3A_387 = arith.constant 11264 : i32
    %dma_wait3A_388 = tpu.memref_slice %arg5[%dma_wait3A_387] : memref<13312xi32, #tpu.memory_space<vmem>> -> memref<512xi32, #tpu.memory_space<vmem>>
    %dma_wait3A_389 = tpu.memref_slice %arg3[%add3A_386] : memref<425984xi32, #tpu.memory_space<hbm>> -> memref<512xi32, #tpu.memory_space<hbm>>
    %dma_wait3A_390 = arith.constant 11264 : i32
    %dma_wait3A_391 = tpu.memref_slice %arg5[%dma_wait3A_390] : memref<13312xi32, #tpu.memory_space<vmem>> -> memref<512xi32, #tpu.memory_space<vmem>>
    %dma_wait3A_392 = tpu.memref_slice %arg3[%add3A_386] : memref<425984xi32, #tpu.memory_space<hbm>> -> memref<512xi32, #tpu.memory_space<hbm>>
    tpu.wait_dma2 semaphore(%arg8 : memref<!tpu.dma_semaphore, #tpu.memory_space<semaphore_mem>>) src(%dma_wait3A_392 : memref<512xi32, #tpu.memory_space<hbm>>) dst(%dma_wait3A_391 : memref<512xi32, #tpu.memory_space<vmem>>)
    %add3A_393 = arith.constant 376832 : i32
    %add3A_394 = arith.addi %add3A_393, %multiple_of3A : i32
    %dma_wait3A_395 = arith.constant 11776 : i32
    %dma_wait3A_396 = tpu.memref_slice %arg5[%dma_wait3A_395] : memref<13312xi32, #tpu.memory_space<vmem>> -> memref<512xi32, #tpu.memory_space<vmem>>
    %dma_wait3A_397 = tpu.memref_slice %arg3[%add3A_394] : memref<425984xi32, #tpu.memory_space<hbm>> -> memref<512xi32, #tpu.memory_space<hbm>>
    %dma_wait3A_398 = arith.constant 11776 : i32
    %dma_wait3A_399 = tpu.memref_slice %arg5[%dma_wait3A_398] : memref<13312xi32, #tpu.memory_space<vmem>> -> memref<512xi32, #tpu.memory_space<vmem>>
    %dma_wait3A_400 = tpu.memref_slice %arg3[%add3A_394] : memref<425984xi32, #tpu.memory_space<hbm>> -> memref<512xi32, #tpu.memory_space<hbm>>
    tpu.wait_dma2 semaphore(%arg8 : memref<!tpu.dma_semaphore, #tpu.memory_space<semaphore_mem>>) src(%dma_wait3A_400 : memref<512xi32, #tpu.memory_space<hbm>>) dst(%dma_wait3A_399 : memref<512xi32, #tpu.memory_space<vmem>>)
    %add3A_401 = arith.constant 393216 : i32
    %add3A_402 = arith.addi %add3A_401, %multiple_of3A : i32
    %dma_wait3A_403 = arith.constant 12288 : i32
    %dma_wait3A_404 = tpu.memref_slice %arg5[%dma_wait3A_403] : memref<13312xi32, #tpu.memory_space<vmem>> -> memref<512xi32, #tpu.memory_space<vmem>>
    %dma_wait3A_405 = tpu.memref_slice %arg3[%add3A_402] : memref<425984xi32, #tpu.memory_space<hbm>> -> memref<512xi32, #tpu.memory_space<hbm>>
    %dma_wait3A_406 = arith.constant 12288 : i32
    %dma_wait3A_407 = tpu.memref_slice %arg5[%dma_wait3A_406] : memref<13312xi32, #tpu.memory_space<vmem>> -> memref<512xi32, #tpu.memory_space<vmem>>
    %dma_wait3A_408 = tpu.memref_slice %arg3[%add3A_402] : memref<425984xi32, #tpu.memory_space<hbm>> -> memref<512xi32, #tpu.memory_space<hbm>>
    tpu.wait_dma2 semaphore(%arg8 : memref<!tpu.dma_semaphore, #tpu.memory_space<semaphore_mem>>) src(%dma_wait3A_408 : memref<512xi32, #tpu.memory_space<hbm>>) dst(%dma_wait3A_407 : memref<512xi32, #tpu.memory_space<vmem>>)
    %add3A_409 = arith.constant 409600 : i32
    %add3A_410 = arith.addi %add3A_409, %multiple_of3A : i32
    %dma_wait3A_411 = arith.constant 12800 : i32
    %dma_wait3A_412 = tpu.memref_slice %arg5[%dma_wait3A_411] : memref<13312xi32, #tpu.memory_space<vmem>> -> memref<512xi32, #tpu.memory_space<vmem>>
    %dma_wait3A_413 = tpu.memref_slice %arg3[%add3A_410] : memref<425984xi32, #tpu.memory_space<hbm>> -> memref<512xi32, #tpu.memory_space<hbm>>
    %dma_wait3A_414 = arith.constant 12800 : i32
    %dma_wait3A_415 = tpu.memref_slice %arg5[%dma_wait3A_414] : memref<13312xi32, #tpu.memory_space<vmem>> -> memref<512xi32, #tpu.memory_space<vmem>>
    %dma_wait3A_416 = tpu.memref_slice %arg3[%add3A_410] : memref<425984xi32, #tpu.memory_space<hbm>> -> memref<512xi32, #tpu.memory_space<hbm>>
    tpu.wait_dma2 semaphore(%arg8 : memref<!tpu.dma_semaphore, #tpu.memory_space<semaphore_mem>>) src(%dma_wait3A_416 : memref<512xi32, #tpu.memory_space<hbm>>) dst(%dma_wait3A_415 : memref<512xi32, #tpu.memory_space<vmem>>)
    %multiple_of3A_417 = arith.constant 0 : i32
    %multiple_of3A_418 = tpu.assume_multiple %multiple_of3A_417, 8 : i32
    %dma_start3A_419 = tpu.memref_slice %arg5[%multiple_of3A_418] : memref<13312xi32, #tpu.memory_space<vmem>> -> memref<512xi32, #tpu.memory_space<vmem>>
    %dma_start3A_420 = arith.constant 0 : i32
    %dma_start3A_421 = arith.constant 0 : i32
    %dma_start3A_422 = tpu.memref_slice %arg2[%dma_start3A_420, %dma_start3A_421] : memref<1000000x64xf32, #tpu.memory_space<hbm>> -> memref<1000000x64xf32, #tpu.memory_space<hbm>>
    tpu.enqueue_indirect_dma source(%dma_start3A_422 : memref<1000000x64xf32, #tpu.memory_space<hbm>>) target(%arg6 : memref<512x64xf32, #tpu.memory_space<vmem>>) offsets(%dma_start3A_419 : memref<512xi32, #tpu.memory_space<vmem>>) semaphore(%arg8 : memref<!tpu.dma_semaphore, #tpu.memory_space<semaphore_mem>>)
    %multiple_of3A_423 = arith.constant 512 : i32
    %multiple_of3A_424 = tpu.assume_multiple %multiple_of3A_423, 8 : i32
    %dma_start3A_425 = tpu.memref_slice %arg5[%multiple_of3A_424] : memref<13312xi32, #tpu.memory_space<vmem>> -> memref<512xi32, #tpu.memory_space<vmem>>
    %dma_start3A_426 = arith.constant 0 : i32
    %dma_start3A_427 = arith.constant 0 : i32
    %dma_start3A_428 = tpu.memref_slice %arg2[%dma_start3A_426, %dma_start3A_427] : memref<1000000x64xf32, #tpu.memory_space<hbm>> -> memref<1000000x64xf32, #tpu.memory_space<hbm>>
    tpu.enqueue_indirect_dma source(%dma_start3A_428 : memref<1000000x64xf32, #tpu.memory_space<hbm>>) target(%arg7 : memref<512x64xf32, #tpu.memory_space<vmem>>) offsets(%dma_start3A_425 : memref<512xi32, #tpu.memory_space<vmem>>) semaphore(%arg9 : memref<!tpu.dma_semaphore, #tpu.memory_space<semaphore_mem>>)
    %multiple_of3A_429 = arith.constant 0 : i32
    %multiple_of3A_430 = tpu.assume_multiple %multiple_of3A_429, 8 : i32
    %dma_wait3A_431 = tpu.memref_slice %arg5[%multiple_of3A_430] : memref<13312xi32, #tpu.memory_space<vmem>> -> memref<512xi32, #tpu.memory_space<vmem>>
    %dma_wait3A_432 = arith.constant 0 : i32
    %dma_wait3A_433 = arith.constant 0 : i32
    %dma_wait3A_434 = tpu.memref_slice %arg2[%dma_wait3A_432, %dma_wait3A_433] : memref<1000000x64xf32, #tpu.memory_space<hbm>> -> memref<1000000x64xf32, #tpu.memory_space<hbm>>
    tpu.wait_indirect_dma semaphore(%arg8 : memref<!tpu.dma_semaphore, #tpu.memory_space<semaphore_mem>>) src(%dma_wait3A_434 : memref<1000000x64xf32, #tpu.memory_space<hbm>>) dst(%arg6 : memref<512x64xf32, #tpu.memory_space<vmem>>)
    %run_scoped3A = arith.constant 0 : i32
    "tpu.region"() ({
      %run_scoped3A_446 = tpu.sem_alloc : memref<!tpu.dma_semaphore, #tpu.memory_space<semaphore_mem>>
      %dma_start3A_447 = arith.constant 0 : i32
      %dma_start3A_448 = tpu.memref_slice %arg4[%run_scoped3A, %multiple_of3A, %dma_start3A_447] : memref<26x16384x64xf32, #tpu.memory_space<hbm>> -> memref<1x512x64xf32, #tpu.memory_space<hbm>>
      %dma_start3A_449 = tpu.memref_squeeze %dma_start3A_448 : memref<1x512x64xf32, #tpu.memory_space<hbm>> -> memref<512x64xf32, #tpu.memory_space<hbm>>
      %dma_start3A_450 = arith.constant 0 : i32
      %dma_start3A_451 = tpu.memref_slice %arg4[%run_scoped3A, %multiple_of3A, %dma_start3A_450] : memref<26x16384x64xf32, #tpu.memory_space<hbm>> -> memref<1x512x64xf32, #tpu.memory_space<hbm>>
      %dma_start3A_452 = tpu.memref_squeeze %dma_start3A_451 : memref<1x512x64xf32, #tpu.memory_space<hbm>> -> memref<512x64xf32, #tpu.memory_space<hbm>>
      tpu.enqueue_dma source(%arg6 : memref<512x64xf32, #tpu.memory_space<vmem>>) target(%dma_start3A_452 : memref<512x64xf32, #tpu.memory_space<hbm>>) target_semaphore(%run_scoped3A_446 : memref<!tpu.dma_semaphore, #tpu.memory_space<semaphore_mem>>)
      %dma_wait3A_453 = arith.constant 0 : i32
      %dma_wait3A_454 = tpu.memref_slice %arg4[%run_scoped3A, %multiple_of3A, %dma_wait3A_453] : memref<26x16384x64xf32, #tpu.memory_space<hbm>> -> memref<1x512x64xf32, #tpu.memory_space<hbm>>
      %dma_wait3A_455 = tpu.memref_squeeze %dma_wait3A_454 : memref<1x512x64xf32, #tpu.memory_space<hbm>> -> memref<512x64xf32, #tpu.memory_space<hbm>>
      %dma_wait3A_456 = arith.constant 0 : i32
      %dma_wait3A_457 = tpu.memref_slice %arg4[%run_scoped3A, %multiple_of3A, %dma_wait3A_456] : memref<26x16384x64xf32, #tpu.memory_space<hbm>> -> memref<1x512x64xf32, #tpu.memory_space<hbm>>
      %dma_wait3A_458 = tpu.memref_squeeze %dma_wait3A_457 : memref<1x512x64xf32, #tpu.memory_space<hbm>> -> memref<512x64xf32, #tpu.memory_space<hbm>>
      tpu.wait_dma2 semaphore(%run_scoped3A_446 : memref<!tpu.dma_semaphore, #tpu.memory_space<semaphore_mem>>) src(%arg6 : memref<512x64xf32, #tpu.memory_space<vmem>>) dst(%dma_wait3A_458 : memref<512x64xf32, #tpu.memory_space<hbm>>)
      tpu.yield
    }) : () -> ()
    %scan3A = arith.constant 0 : i32
    %scan3A_435 = arith.constant 12 : i32
    %scan3A_436 = arith.addi %scan3A, %scan3A_435 : i32
    %scan3A_437 = arith.constant 1 : i32
    scf.for %scan3A_446 = %scan3A to %scan3A_436 step %scan3A_437  : i32 {
      %mul3A_447 = arith.constant 2 : i32
      %mul3A_448 = arith.muli %scan3A_446, %mul3A_447 : i32
      %add3A_449 = arith.constant 1 : i32
      %add3A_450 = arith.addi %add3A_449, %mul3A_448 : i32
      %add3A_451 = arith.constant 1 : i32
      %add3A_452 = arith.addi %add3A_450, %add3A_451 : i32
      %mul3A_453 = arith.constant 512 : i32
      %mul3A_454 = arith.muli %add3A_452, %mul3A_453 : i32
      %multiple_of3A_455 = tpu.assume_multiple %mul3A_454, 8 : i32
      %dma_start3A_456 = tpu.memref_slice %arg5[%multiple_of3A_455] : memref<13312xi32, #tpu.memory_space<vmem>> -> memref<512xi32, #tpu.memory_space<vmem>>
      %dma_start3A_457 = arith.constant 0 : i32
      %dma_start3A_458 = arith.constant 0 : i32
      %dma_start3A_459 = tpu.memref_slice %arg2[%dma_start3A_457, %dma_start3A_458] : memref<1000000x64xf32, #tpu.memory_space<hbm>> -> memref<1000000x64xf32, #tpu.memory_space<hbm>>
      tpu.enqueue_indirect_dma source(%dma_start3A_459 : memref<1000000x64xf32, #tpu.memory_space<hbm>>) target(%arg6 : memref<512x64xf32, #tpu.memory_space<vmem>>) offsets(%dma_start3A_456 : memref<512xi32, #tpu.memory_space<vmem>>) semaphore(%arg8 : memref<!tpu.dma_semaphore, #tpu.memory_space<semaphore_mem>>)
      %mul3A_460 = arith.constant 512 : i32
      %mul3A_461 = arith.muli %add3A_450, %mul3A_460 : i32
      %multiple_of3A_462 = tpu.assume_multiple %mul3A_461, 8 : i32
      %dma_wait3A_463 = tpu.memref_slice %arg5[%multiple_of3A_462] : memref<13312xi32, #tpu.memory_space<vmem>> -> memref<512xi32, #tpu.memory_space<vmem>>
      %dma_wait3A_464 = arith.constant 0 : i32
      %dma_wait3A_465 = arith.constant 0 : i32
      %dma_wait3A_466 = tpu.memref_slice %arg2[%dma_wait3A_464, %dma_wait3A_465] : memref<1000000x64xf32, #tpu.memory_space<hbm>> -> memref<1000000x64xf32, #tpu.memory_space<hbm>>
      tpu.wait_indirect_dma semaphore(%arg9 : memref<!tpu.dma_semaphore, #tpu.memory_space<semaphore_mem>>) src(%dma_wait3A_466 : memref<1000000x64xf32, #tpu.memory_space<hbm>>) dst(%arg7 : memref<512x64xf32, #tpu.memory_space<vmem>>)
      "tpu.region"() ({
        %run_scoped3A_487 = tpu.sem_alloc : memref<!tpu.dma_semaphore, #tpu.memory_space<semaphore_mem>>
        %dma_start3A_488 = arith.constant 0 : i32
        %dma_start3A_489 = tpu.memref_slice %arg4[%add3A_450, %multiple_of3A, %dma_start3A_488] : memref<26x16384x64xf32, #tpu.memory_space<hbm>> -> memref<1x512x64xf32, #tpu.memory_space<hbm>>
        %dma_start3A_490 = tpu.memref_squeeze %dma_start3A_489 : memref<1x512x64xf32, #tpu.memory_space<hbm>> -> memref<512x64xf32, #tpu.memory_space<hbm>>
        %dma_start3A_491 = arith.constant 0 : i32
        %dma_start3A_492 = tpu.memref_slice %arg4[%add3A_450, %multiple_of3A, %dma_start3A_491] : memref<26x16384x64xf32, #tpu.memory_space<hbm>> -> memref<1x512x64xf32, #tpu.memory_space<hbm>>
        %dma_start3A_493 = tpu.memref_squeeze %dma_start3A_492 : memref<1x512x64xf32, #tpu.memory_space<hbm>> -> memref<512x64xf32, #tpu.memory_space<hbm>>
        tpu.enqueue_dma source(%arg7 : memref<512x64xf32, #tpu.memory_space<vmem>>) target(%dma_start3A_493 : memref<512x64xf32, #tpu.memory_space<hbm>>) target_semaphore(%run_scoped3A_487 : memref<!tpu.dma_semaphore, #tpu.memory_space<semaphore_mem>>)
        %dma_wait3A_494 = arith.constant 0 : i32
        %dma_wait3A_495 = tpu.memref_slice %arg4[%add3A_450, %multiple_of3A, %dma_wait3A_494] : memref<26x16384x64xf32, #tpu.memory_space<hbm>> -> memref<1x512x64xf32, #tpu.memory_space<hbm>>
        %dma_wait3A_496 = tpu.memref_squeeze %dma_wait3A_495 : memref<1x512x64xf32, #tpu.memory_space<hbm>> -> memref<512x64xf32, #tpu.memory_space<hbm>>
        %dma_wait3A_497 = arith.constant 0 : i32
        %dma_wait3A_498 = tpu.memref_slice %arg4[%add3A_450, %multiple_of3A, %dma_wait3A_497] : memref<26x16384x64xf32, #tpu.memory_space<hbm>> -> memref<1x512x64xf32, #tpu.memory_space<hbm>>
        %dma_wait3A_499 = tpu.memref_squeeze %dma_wait3A_498 : memref<1x512x64xf32, #tpu.memory_space<hbm>> -> memref<512x64xf32, #tpu.memory_space<hbm>>
        tpu.wait_dma2 semaphore(%run_scoped3A_487 : memref<!tpu.dma_semaphore, #tpu.memory_space<semaphore_mem>>) src(%arg7 : memref<512x64xf32, #tpu.memory_space<vmem>>) dst(%dma_wait3A_499 : memref<512x64xf32, #tpu.memory_space<hbm>>)
        tpu.yield
      }) : () -> ()
      %add3A_467 = arith.constant 2 : i32
      %add3A_468 = arith.addi %add3A_450, %add3A_467 : i32
      %mul3A_469 = arith.constant 512 : i32
      %mul3A_470 = arith.muli %add3A_468, %mul3A_469 : i32
      %multiple_of3A_471 = tpu.assume_multiple %mul3A_470, 8 : i32
      %dma_start3A_472 = tpu.memref_slice %arg5[%multiple_of3A_471] : memref<13312xi32, #tpu.memory_space<vmem>> -> memref<512xi32, #tpu.memory_space<vmem>>
      %dma_start3A_473 = arith.constant 0 : i32
      %dma_start3A_474 = arith.constant 0 : i32
      %dma_start3A_475 = tpu.memref_slice %arg2[%dma_start3A_473, %dma_start3A_474] : memref<1000000x64xf32, #tpu.memory_space<hbm>> -> memref<1000000x64xf32, #tpu.memory_space<hbm>>
      tpu.enqueue_indirect_dma source(%dma_start3A_475 : memref<1000000x64xf32, #tpu.memory_space<hbm>>) target(%arg7 : memref<512x64xf32, #tpu.memory_space<vmem>>) offsets(%dma_start3A_472 : memref<512xi32, #tpu.memory_space<vmem>>) semaphore(%arg9 : memref<!tpu.dma_semaphore, #tpu.memory_space<semaphore_mem>>)
      %add3A_476 = arith.constant 1 : i32
      %add3A_477 = arith.addi %add3A_450, %add3A_476 : i32
      %mul3A_478 = arith.constant 512 : i32
      %mul3A_479 = arith.muli %add3A_477, %mul3A_478 : i32
      %multiple_of3A_480 = tpu.assume_multiple %mul3A_479, 8 : i32
      %dma_wait3A_481 = tpu.memref_slice %arg5[%multiple_of3A_480] : memref<13312xi32, #tpu.memory_space<vmem>> -> memref<512xi32, #tpu.memory_space<vmem>>
      %dma_wait3A_482 = arith.constant 0 : i32
      %dma_wait3A_483 = arith.constant 0 : i32
      %dma_wait3A_484 = tpu.memref_slice %arg2[%dma_wait3A_482, %dma_wait3A_483] : memref<1000000x64xf32, #tpu.memory_space<hbm>> -> memref<1000000x64xf32, #tpu.memory_space<hbm>>
      tpu.wait_indirect_dma semaphore(%arg8 : memref<!tpu.dma_semaphore, #tpu.memory_space<semaphore_mem>>) src(%dma_wait3A_484 : memref<1000000x64xf32, #tpu.memory_space<hbm>>) dst(%arg6 : memref<512x64xf32, #tpu.memory_space<vmem>>)
      %add3A_485 = arith.constant 1 : i32
      %add3A_486 = arith.addi %add3A_450, %add3A_485 : i32
      "tpu.region"() ({
        %run_scoped3A_487 = tpu.sem_alloc : memref<!tpu.dma_semaphore, #tpu.memory_space<semaphore_mem>>
        %dma_start3A_488 = arith.constant 0 : i32
        %dma_start3A_489 = tpu.memref_slice %arg4[%add3A_486, %multiple_of3A, %dma_start3A_488] : memref<26x16384x64xf32, #tpu.memory_space<hbm>> -> memref<1x512x64xf32, #tpu.memory_space<hbm>>
        %dma_start3A_490 = tpu.memref_squeeze %dma_start3A_489 : memref<1x512x64xf32, #tpu.memory_space<hbm>> -> memref<512x64xf32, #tpu.memory_space<hbm>>
        %dma_start3A_491 = arith.constant 0 : i32
        %dma_start3A_492 = tpu.memref_slice %arg4[%add3A_486, %multiple_of3A, %dma_start3A_491] : memref<26x16384x64xf32, #tpu.memory_space<hbm>> -> memref<1x512x64xf32, #tpu.memory_space<hbm>>
        %dma_start3A_493 = tpu.memref_squeeze %dma_start3A_492 : memref<1x512x64xf32, #tpu.memory_space<hbm>> -> memref<512x64xf32, #tpu.memory_space<hbm>>
        tpu.enqueue_dma source(%arg6 : memref<512x64xf32, #tpu.memory_space<vmem>>) target(%dma_start3A_493 : memref<512x64xf32, #tpu.memory_space<hbm>>) target_semaphore(%run_scoped3A_487 : memref<!tpu.dma_semaphore, #tpu.memory_space<semaphore_mem>>)
        %dma_wait3A_494 = arith.constant 0 : i32
        %dma_wait3A_495 = tpu.memref_slice %arg4[%add3A_486, %multiple_of3A, %dma_wait3A_494] : memref<26x16384x64xf32, #tpu.memory_space<hbm>> -> memref<1x512x64xf32, #tpu.memory_space<hbm>>
        %dma_wait3A_496 = tpu.memref_squeeze %dma_wait3A_495 : memref<1x512x64xf32, #tpu.memory_space<hbm>> -> memref<512x64xf32, #tpu.memory_space<hbm>>
        %dma_wait3A_497 = arith.constant 0 : i32
        %dma_wait3A_498 = tpu.memref_slice %arg4[%add3A_486, %multiple_of3A, %dma_wait3A_497] : memref<26x16384x64xf32, #tpu.memory_space<hbm>> -> memref<1x512x64xf32, #tpu.memory_space<hbm>>
        %dma_wait3A_499 = tpu.memref_squeeze %dma_wait3A_498 : memref<1x512x64xf32, #tpu.memory_space<hbm>> -> memref<512x64xf32, #tpu.memory_space<hbm>>
        tpu.wait_dma2 semaphore(%run_scoped3A_487 : memref<!tpu.dma_semaphore, #tpu.memory_space<semaphore_mem>>) src(%arg6 : memref<512x64xf32, #tpu.memory_space<vmem>>) dst(%dma_wait3A_499 : memref<512x64xf32, #tpu.memory_space<hbm>>)
        tpu.yield
      }) : () -> ()
    }
    %scan3A_438 = arith.constant 12 : i32
    %multiple_of3A_439 = arith.constant 12800 : i32
    %multiple_of3A_440 = tpu.assume_multiple %multiple_of3A_439, 8 : i32
    %dma_wait3A_441 = tpu.memref_slice %arg5[%multiple_of3A_440] : memref<13312xi32, #tpu.memory_space<vmem>> -> memref<512xi32, #tpu.memory_space<vmem>>
    %dma_wait3A_442 = arith.constant 0 : i32
    %dma_wait3A_443 = arith.constant 0 : i32
    %dma_wait3A_444 = tpu.memref_slice %arg2[%dma_wait3A_442, %dma_wait3A_443] : memref<1000000x64xf32, #tpu.memory_space<hbm>> -> memref<1000000x64xf32, #tpu.memory_space<hbm>>
    tpu.wait_indirect_dma semaphore(%arg9 : memref<!tpu.dma_semaphore, #tpu.memory_space<semaphore_mem>>) src(%dma_wait3A_444 : memref<1000000x64xf32, #tpu.memory_space<hbm>>) dst(%arg7 : memref<512x64xf32, #tpu.memory_space<vmem>>)
    %run_scoped3A_445 = arith.constant 25 : i32
    "tpu.region"() ({
      %run_scoped3A_446 = tpu.sem_alloc : memref<!tpu.dma_semaphore, #tpu.memory_space<semaphore_mem>>
      %dma_start3A_447 = arith.constant 0 : i32
      %dma_start3A_448 = tpu.memref_slice %arg4[%run_scoped3A_445, %multiple_of3A, %dma_start3A_447] : memref<26x16384x64xf32, #tpu.memory_space<hbm>> -> memref<1x512x64xf32, #tpu.memory_space<hbm>>
      %dma_start3A_449 = tpu.memref_squeeze %dma_start3A_448 : memref<1x512x64xf32, #tpu.memory_space<hbm>> -> memref<512x64xf32, #tpu.memory_space<hbm>>
      %dma_start3A_450 = arith.constant 0 : i32
      %dma_start3A_451 = tpu.memref_slice %arg4[%run_scoped3A_445, %multiple_of3A, %dma_start3A_450] : memref<26x16384x64xf32, #tpu.memory_space<hbm>> -> memref<1x512x64xf32, #tpu.memory_space<hbm>>
      %dma_start3A_452 = tpu.memref_squeeze %dma_start3A_451 : memref<1x512x64xf32, #tpu.memory_space<hbm>> -> memref<512x64xf32, #tpu.memory_space<hbm>>
      tpu.enqueue_dma source(%arg7 : memref<512x64xf32, #tpu.memory_space<vmem>>) target(%dma_start3A_452 : memref<512x64xf32, #tpu.memory_space<hbm>>) target_semaphore(%run_scoped3A_446 : memref<!tpu.dma_semaphore, #tpu.memory_space<semaphore_mem>>)
      %dma_wait3A_453 = arith.constant 0 : i32
      %dma_wait3A_454 = tpu.memref_slice %arg4[%run_scoped3A_445, %multiple_of3A, %dma_wait3A_453] : memref<26x16384x64xf32, #tpu.memory_space<hbm>> -> memref<1x512x64xf32, #tpu.memory_space<hbm>>
      %dma_wait3A_455 = tpu.memref_squeeze %dma_wait3A_454 : memref<1x512x64xf32, #tpu.memory_space<hbm>> -> memref<512x64xf32, #tpu.memory_space<hbm>>
      %dma_wait3A_456 = arith.constant 0 : i32
      %dma_wait3A_457 = tpu.memref_slice %arg4[%run_scoped3A_445, %multiple_of3A, %dma_wait3A_456] : memref<26x16384x64xf32, #tpu.memory_space<hbm>> -> memref<1x512x64xf32, #tpu.memory_space<hbm>>
      %dma_wait3A_458 = tpu.memref_squeeze %dma_wait3A_457 : memref<1x512x64xf32, #tpu.memory_space<hbm>> -> memref<512x64xf32, #tpu.memory_space<hbm>>
      tpu.wait_dma2 semaphore(%run_scoped3A_446 : memref<!tpu.dma_semaphore, #tpu.memory_space<semaphore_mem>>) src(%arg7 : memref<512x64xf32, #tpu.memory_space<vmem>>) dst(%dma_wait3A_458 : memref<512x64xf32, #tpu.memory_space<hbm>>)
      tpu.yield
    }) : () -> ()
    return
  }
}

</mosaic_0001>

<sc_bundles>
// kernel: kernel.3.cloned.1.call-start
scs
__scs_entry_jumppad:
0x0: {  	(pc) =	sbr.rel $0x88, $3  }
0x1: {  	(tag) =	ssettag $0x0;
	lr =	simm.s32 $0x1  }
0x2: {  	[smem:$0x3F9F] =	sst lr;
	_ =	strace $0xD0000000  }
0x3: {  	_ = 	snop  }
0x4: {  	_ = 	snop  }
0x5: {  	_ = 	snop  }
0x6: {  	_ = 	snop  }
0x7: {  	_ = 	snop  }
__scs_overlays_trampoline_lowered:
0x8: {  	[smem:$0x3FAE] =	sst s0  }
0x9: {  	[smem:$0x3FAF] =	sst s1  }
0xa: {  	[smem:$0x3FB0] =	sst s2  }
0xb: {  	[smem:$0x3FB1] =	sst s3  }
0xc: {  	[smem:$0x3FB2] =	sst s4  }
0xd: {  	[smem:$0x3FB3] =	sst s5  }
0xe: {  	[smem:$0x3FB4] =	sst s6  }
0xf: {  	[smem:$0x3FB5] =	sst s7  }
0x10: {  	[smem:$0x3FB6] =	sst s8  }
0x11: {  	[smem:$0x3FB7] =	sst s9;
	s0 =	simm.s32 @!p0 $0x0  }
0x12: {  	s1 =	sld [smem:$0x3F9D];
	s0 =	simm.s32 @p0 $0x1  }
0x13: {  	[smem:$0x3FB8] =	sst s0;
	s0 =	simm.s32 @!p1 $0x0  }
0x14: {  	s2 =	sld [smem:$0x3F9C];
	s0 =	simm.s32 @p1 $0x1  }
0x15: {  	[smem:$0x3FB9] =	sst s0;
	s0 =	simm.s32 @!p2 $0x0  }
0x16: {  	s3 =	sld [smem:$0x3FDB];
	s0 =	simm.s32 @p2 $0x1  }
0x17: {  	s4 =	simm.s32 $0x1BF5;
	[smem:$0x3FBB] =	sst s0  }
0x18: {  	s0 =	sld [smem:$0x3F9E];
	_ =	swait.ge [sflag:s4], $0x0  }
0x19: {  	s7 =	sld [smem:$0x3F9F]  }
0x1a: {  	s8 =	sadd.s32 $0xFFFFE003, lr  }
0x1b: {  	s9 =	sadd.s32 $0xFFFFFEF7, lr;
	s5 =	simm.s32 $0xFFFFFFFF;
	p2 =	slt.u32 s8, $0xFFFFF086  }
0x1c: {  	p1 =	slt.u32 s9, $0xF7A;
	s5 =	simm.s32 @!p2 $0x0  }
0x1d: {  	s5 =	simm.s32 @p1 $0x1;
	p0 =	seq.s32 s7, s2  }
0x1e: {  	s7 =	smul.u32 @!p0 $0xF7A, s2;
	p2 =	seq.s32 @!p0 s5, $0x0  }
0x1f: {  	s9 =	smul.u32 $0xF7A, s1;
	s8 =	simm.s32 @!p0 $0x1BF5;
	p2 =	por !p2, p0  }
0x20: {  	[sflag:s8] =	ssyncset.s32 @!p0 $0xFFFFF086;
	s6 =	sadd.s32 @!p0 s3, s7;
	s7 =	simm.s32 @!p0 $0x108  }
0x21: {  	s3 =	sadd.s32 s3, s9;
	s6 =	sadd.s32 @!p0 $0x88, s6;
	s7 =	simm.s32 @p2 $0x1082  }
0x22: {  	[simem:s7], [sflag:s8] =	dma.local @!p0 [hbm:s6], $0xF7A  }
0x23: {  	s9 =	sor.u32 $0xD0000000, s2;
	s6 =	simm.s32 $0x108;
	_ =	swait.ge @!p0 [sflag:s8], $0x0  }
0x24: {  	s3 =	sadd.s32 $0x88, s3;
	s6 =	simm.s32 @!p1 $0x1082;
	[sflag:s4] =	ssyncset.s32 $0xFFFFF086  }
0x25: {  	[simem:s6], [sflag:s4] =	dma.local [hbm:s3], $0xF7A  }
0x26: {  	[smem:$0x3F9F] =	sst s1;
	(tag) =	ssettag s2;
	_ =	strace s9  }
0x27: {  	s1 =	sld [smem:$0x3FAF]  }
0x28: {  	s2 =	sld [smem:$0x3FB0]  }
0x29: {  	s4 =	sld [smem:$0x3FB2]  }
0x2a: {  	p0 =	seq.s32 s5, $0x0;
	s5 =	sld [smem:$0x3FB3]  }
0x2b: {  	s6 =	sld [smem:$0x3FB4]  }
0x2c: {  	s7 =	sld [smem:$0x3FB5]  }
0x2d: {  	s3 =	simm.s32 $0x108;
	s8 =	sld [smem:$0x3FB6]  }
0x2e: {  	s3 =	simm.s32 @!p0 $0x1082;
	s9 =	sld [smem:$0x3FB7]  }
0x2f: {  	lr =	sadd.s32 s0, s3;
	s0 =	sld [smem:$0x3FAE]  }
0x30: {  	s3 =	sld [smem:$0x3FB1]  }
0x31: {  	[smem:$0x3FBA] =	sst s10  }
0x32: {  	s10 =	sld [smem:$0x3FB8];
	_ =	sdelay $0x3  }
0x33: {  	p0 =	seq.s32 s10, $0x1;
	s10 =	sld [smem:$0x3FBA];
	_ =	sdelay $0x3  }
0x34: {  	[smem:$0x3FBA] =	sst s10  }
0x35: {  	s10 =	sld [smem:$0x3FB9];
	_ =	sdelay $0x3  }
0x36: {  	p1 =	seq.s32 s10, $0x1;
	s10 =	sld [smem:$0x3FBA];
	_ =	sdelay $0x3  }
0x37: {  	[smem:$0x3FBA] =	sst s10  }
0x38: {  	s10 =	sld [smem:$0x3FBB]  }
0x39: {  	_ = 	snop;
	(pc) =	sbr.ind lr, $3  }
0x3a: {  	_ = 	snop  }
0x3b: {  	_ = 	snop  }
0x3c: {  	p2 =	seq.s32 s10, $0x1;
	s10 =	sld [smem:$0x3FBA]  }
0x3d: {  	_ =	shalt  }
0x3e: {  	_ =	shalt  }
0x3f: {  	_ =	shalt  }
0x40: {  	_ =	shalt  }
0x41: {  	_ =	shalt  }
0x42: {  	_ =	shalt  }
0x43: {  	_ =	shalt  }
0x44: {  	_ =	shalt  }
0x45: {  	_ =	shalt  }
0x46: {  	_ =	shalt  }
0x47: {  	_ =	shalt  }
0x48: {  	_ =	shalt  }
0x49: {  	_ =	shalt  }
0x4a: {  	_ =	shalt  }
0x4b: {  	_ =	shalt  }
0x4c: {  	_ =	shalt  }
0x4d: {  	_ =	shalt  }
0x4e: {  	_ =	shalt  }
0x4f: {  	_ =	shalt  }
0x50: {  	_ =	shalt  }
0x51: {  	_ =	shalt  }
0x52: {  	_ =	shalt  }
0x53: {  	_ =	shalt  }
0x54: {  	_ =	shalt  }
0x55: {  	_ =	shalt  }
0x56: {  	_ =	shalt  }
0x57: {  	_ =	shalt  }
0x58: {  	_ =	shalt  }
0x59: {  	_ =	shalt  }
0x5a: {  	_ =	shalt  }
0x5b: {  	_ =	shalt  }
0x5c: {  	_ =	shalt  }
0x5d: {  	_ =	shalt  }
0x5e: {  	_ =	shalt  }
0x5f: {  	_ =	shalt  }
0x60: {  	_ =	shalt  }
0x61: {  	_ =	shalt  }
0x62: {  	_ =	shalt  }
0x63: {  	_ =	shalt  }
0x64: {  	_ =	shalt  }
0x65: {  	_ =	shalt  }
0x66: {  	_ =	shalt  }
0x67: {  	_ =	shalt  }
0x68: {  	_ =	shalt  }
0x69: {  	_ =	shalt  }
0x6a: {  	_ =	shalt  }
0x6b: {  	_ =	shalt  }
0x6c: {  	_ =	shalt  }
0x6d: {  	_ =	shalt  }
0x6e: {  	_ =	shalt  }
0x6f: {  	_ =	shalt  }
0x70: {  	_ =	shalt  }
0x71: {  	_ =	shalt  }
0x72: {  	_ =	shalt  }
0x73: {  	_ =	shalt  }
0x74: {  	_ =	shalt  }
0x75: {  	_ =	shalt  }
0x76: {  	_ =	shalt  }
0x77: {  	_ =	shalt  }
0x78: {  	_ =	shalt  }
0x79: {  	_ =	shalt  }
0x7a: {  	_ =	shalt  }
0x7b: {  	_ =	shalt  }
0x7c: {  	_ =	shalt  }
0x7d: {  	_ =	shalt  }
0x7e: {  	_ =	shalt  }
0x7f: {  	_ =	shalt  }
0x80: {  	_ =	shalt  }
0x81: {  	_ =	shalt  }
0x82: {  	_ =	shalt  }
0x83: {  	_ =	shalt  }
0x84: {  	_ =	shalt  }
0x85: {  	_ =	shalt  }
0x86: {  	_ =	shalt  }
0x87: {  	_ =	shalt  }
.Lfunc_end0:
.L_simem_size_0:
called_computation.1_lowered:
.L_overlay_start_0:
0x88: {  	s2 =	sld [smem:$0x3FD9]  }
0x89: {  	s3 =	sld [smem:$0x3FFE];
	_ =	sdelay $0x1  }
0x8a: {  	s1 =	srdreg.scid  }
0x8b: {  	s0 =	sand.u32 $0x1, s1  }
0x8c: {  	s17 =	sshll.u32 s0, $0xA;
	s2 =	sadd.s32 s3, s2  }
0x8d: {  	s2 =	sadd.s32 s2, s17  }
0x8e: {  	[smem:$0x3FC6] =	sst s2  }
0x8f: {  	_ = 	snop  }
0x90: {  	s2 =	sld [smem:$0x3FD0];
	(tm) =	ssettm $0x1  }
0x91: {  	s18 =	sld [smem:$0x3FFB];
	_ =	sdelay $0x3  }
0x92: {  	_ =	strace s18  }
0x93: {  	s3 =	sld [smem:$0x3FFC];
	_ =	sdelay $0x3  }
0x94: {  	_ =	strace s3  }
0x95: {  	s3 =	sld [smem:$0x3FFD];
	_ =	sdelay $0x3  }
0x96: {  	_ =	strace s3  }
0x97: {  	_ =	strace $0x8FFFFFFF  }
0x98: {  	s19 =	sld [smem:$0x3FDB];
	_ =	sdelay $0x1  }
0x99: {  	s4 =	simm.s32 $_scs_section_size  }
0x9a: {  	s5 =	simm.s32 $_size__tile_overlayer_lowered;
	s6 =	simm.s32 $_tile_overlayer_lowered  }
0x9b: {  	s22 =	simm.s32 $0x1BFF;
	s21 =	sshll.u32 s6, $0x1;
	s3 =	sadd.s32 s4, s19  }
0x9c: {  	s7 =	simm.s32 $0x0;
	s20 =	sshll.u32 s5, $0x1;
	s5 =	sadd.s32 s21, s3  }
0x9d: {  	[timem:s7], [sflag:s22] =	dma.local [hbm:s5], s20  }
0x9e: {  	_ =	swait.ge [sflag:s22], s20  }
0x9f: {  	s4 =	ssub.s32 $0x0, s20;
	[sflag:s22] =	ssyncset.done $0x0  }
0xa0: {  	[sflag:s22] =	ssyncadd.s32 s4;
	_ =	sdelay $0x1  }
0xa1: {  	s23 =	simm.s32 $0x1B8B  }
0xa2: {  	_ =	swait.ge [sflag:s23], $0x1  }
0xa3: {  	[sflag:s23] =	ssyncset.done $0x0  }
0xa4: {  	s25 =	simm.s32 $0x1B8E;
	s24 =	sld [smem:$0x3FFE];
	[sflag:s23] =	ssyncadd.s32 $0xFFFFFFFF  }
0xa5: {  	s26 =	simm.s32 $execute0_lowered;
	[smem:$0x3FD2] =	sst s25  }
0xa6: {  	s5 =	sshll.u32 s26, $0x1;
	_ =	strace $0x80000046;
	[dreg:$0x1] =	wrdreg $0xFFFFFFFF  }
0xa7: {  	s28 =	simm.s32 $_size_execute0_lowered;
	s3 =	sadd.s32 s3, s5;
	[dreg:$0x0] =	wrdreg $0x0  }
0xa8: {  	s5 =	sshll.u32 s28, $0x1;
	[dreg:$0x2] =	wrdreg s3  }
0xa9: {  	[dreg:$0x3] =	wrdreg s5  }
0xaa: {  	[dreg:$0x4] =	wrdreg $0xC0  }
0xab: {  	_ =	task [dreg:s7], $0x5FFFF  }
0xac: {  	[dreg:$0x1] =	wrdreg $0xFFFFFFFF  }
0xad: {  	[dreg:$0x0] =	wrdreg $0x60  }
0xae: {  	[dreg:$0x2] =	wrdreg s24  }
0xaf: {  	[dreg:$0x3] =	wrdreg s2  }
0xb0: {  	[dreg:$0x4] =	wrdreg $0x9  }
0xb1: {  	_ =	task.clear_ibuf [dreg:s7], $0x5FFFF;
	_ =	strace $0x90000046  }
0xb2: {  	s29 =	simm.s32 $0x9;
	_ =	strace $0x80000048  }
0xb3: {  	_ =	swait.ge [sflag:s29], $0x1  }
0xb4: {  	[sflag:s29] =	ssyncadd.s32 $0xFFFFFFFF  }
0xb5: {  	_ =	strace $0x90000048  }
0xb6: {  	_ =	sfence  }
0xb7: {  	s30 =	sld [smem:$0x0];
	_ =	sdelay $0x2  }
0xb8: {  	s31 =	sshll.u32 s1, $0xD;
	s1 =	sshrl.u32 s1, $0x2  }
0xb9: {  	s3 =	sand.u32 $0x4000, s31;
	s1 =	sadd.s32 s1, s30  }
0xba: {  	s0 =	sor.u32 s3, s0;
	s1 =	sshll.u32 s1, $0x11  }
0xbb: {  	s0 =	sor.u32 s1, s0  }
0xbc: {  	s0 =	sadd.s32 $0x8F2B, s0  }
0xbd: {  	[sflag:s0] =	ssyncadd.remote.s32 $0x1  }
0xbe: {  	_ =	sfence.sel $0xFFFF  }
0xbf: {  	[dreg:$0x0] =	wrdreg $0xFFFFFFFF;
	(pc) =	sbr.abs _section_cstart, $3  }
0xc0: {  	[dreg:$0x1] =	wrdreg $0xFFFFFFFF  }
0xc1: {  	_ =	task.clear_ibuf [dreg:s7], $0x2FFFF;
	_ =	strace $0x9FFFFFFF  }
0xc2: {  	(tm) =	ssettm $0x7FFFFFFF  }
0xc3: {  	_ =	shalt  }
tec
execute0_lowered:
.L_overlay_start_1:
0x0: {  	(tag) =	ssettag $0x1  }
0x1: {  	s1 =	srdreg.scid  }
0x2: {  	s9 =	stileid.u32;
	s1 =	sand.u32 $0x1, s1  }
0x3: {  	s4 =	sshll.u32 s9, $0xA;
	s5 =	sshll.u32 s1, $0x9  }
0x4: {  	s0 =	rddreg [dreg:$0x0];
	s5 =	sor.u32 s5, s4  }
0x5: {  	s2 =	rddreg [dreg:$0x1];
	s7 =	sshrl.u32 s5, $0x3  }
0x6: {  	s3 =	simm.s32 $0x0;
	s4 =	sadd.s32 $0xF42E00, s0;
	s0 =	sadd.s32 s7, s0  }
0x7: {  	[smem:$0x7FF] =	sst s3;
	s7 =	sadd.s32 $0xA00, s0  }
0x8: {  	_ =	strace $0x80000047;
	s21 =	sadd.s32 $0x1200, s0;
	[dreg:$0x3] =	wrdreg s7  }
0x9: {  	s22 =	sadd.s32 $0x1A00, s0;
	[dreg:$0x4] =	wrdreg s21  }
0xa: {  	s23 =	sadd.s32 $0x2200, s0;
	[dreg:$0x5] =	wrdreg s22  }
0xb: {  	s24 =	sadd.s32 $0x2A00, s0;
	[dreg:$0x6] =	wrdreg s23  }
0xc: {  	s6 =	ssub.s32 $0x2, s1;
	s25 =	sadd.s32 $0x3200, s0;
	[dreg:$0x7] =	wrdreg s24  }
0xd: {  	s8 =	sshrl.u32 s6, $0x1;
	s26 =	sadd.s32 $0x3A00, s0;
	[dreg:$0x8] =	wrdreg s25  }
0xe: {  	s6 =	ssub.s32 s6, s8;
	s8 =	sadd.s32 $0x4200, s0;
	[dreg:$0x9] =	wrdreg s26  }
0xf: {  	s10 =	sadd.s32 $0x4A00, s0;
	[dreg:$0xa] =	wrdreg s8  }
0x10: {  	s18 =	sshll.u32 s9, $0x10;
	s11 =	sadd.s32 $0x5200, s0;
	[dreg:$0xb] =	wrdreg s10  }
0x11: {  	s9 =	simm.s32 $0x1;
	s12 =	sadd.s32 $0x5A00, s0;
	[dreg:$0xc] =	wrdreg s11  }
0x12: {  	s1 =	sshll.u32 s1, $0xF;
	s13 =	sadd.s32 $0x6200, s0;
	[dreg:$0xd] =	wrdreg s12  }
0x13: {  	s19 =	sshll.u32 s5, $0x3;
	s14 =	sadd.s32 $0x6A00, s0;
	[dreg:$0xe] =	wrdreg s13  }
0x14: {  	s15 =	sadd.s32 $0x7200, s0;
	s16 =	sadd.s32 $0x7A00, s0;
	[dreg:$0xf] =	wrdreg s14  }
0x15: {  	s17 =	sadd.s32 $0x8200, s0;
	s28 =	sadd.s32 $0xBA00, s0;
	[dreg:$0x10] =	wrdreg s15  }
0x16: {  	s29 =	sadd.s32 $0xC200, s0;
	s30 =	sadd.s32 $0xCA00, s0;
	[dreg:$0x11] =	wrdreg s16  }
0x17: {  	s31 =	sadd.s32 $0xD200, s0;
	[dreg:$0x12] =	wrdreg s17;
	s7 =	sor.u32 s1, s18  }
0x18: {  	s21 =	sadd.s32 $0x8A00, s0;
	s22 =	sadd.s32 $0x9200, s0;
	s23 =	sadd.s32 $0x9A00, s0  }
0x19: {  	s24 =	sadd.s32 $0xA200, s0;
	s25 =	sadd.s32 $0xAA00, s0;
	s26 =	sadd.s32 $0xB200, s0  }
0x1a: {  	s0 =	sadd.s32 s2, s19;
	s1 =	smax.u32 s6, $0x1;
	s8 =	simm.s32 $0x200  }
0x1b: {  	s10 =	simm.s32 $0x3400;
	s11 =	simm.s32 $0xB400;
	s12 =	simm.s32 $0x3  }
0x1c: {  	s13 =	simm.s32 $0x2;
	s14 =	simm.s32 $0x0;
	s20 =	sshrl.u32 s7, $0x3  }
0x1d: {  	s16 =	sor.u32 $0x200000, s7;
	s7 =	sadd.s32 $0x320000, s0;
	s5 =	sadd.s32 s20, s2  }
.LBB2_1:
0x1e: {  	s6 =	rddreg [dreg:$0x3]  }
0x1f: {  	[tilespmem:s3], [sflag:$0x1] =	stream.linear.gather [hbm4b:s6+s3], $0x200, $0x38;
	[tilespmem:$0x13400] =	vst v63  }
0x20: {  	s17 =	rddreg [dreg:$0x4]  }
0x21: {  	[tilespmem:s8], [sflag:$0x1] =	stream.linear.gather [hbm4b:s17+s3], $0x200, $0x38;
	[tilespmem:$0x13400] =	vst v63  }
0x22: {  	s18 =	rddreg [dreg:$0x5];
	s15 =	simm.s32 $0x400  }
0x23: {  	[tilespmem:s15], [sflag:$0x1] =	stream.linear.gather [hbm4b:s18+s3], $0x200, $0x38;
	[tilespmem:$0x13400] =	vst v63  }
0x24: {  	s19 =	rddreg [dreg:$0x6];
	s15 =	simm.s32 $0x600  }
0x25: {  	[tilespmem:s15], [sflag:$0x1] =	stream.linear.gather [hbm4b:s19+s3], $0x200, $0x38;
	[tilespmem:$0x13400] =	vst v63  }
0x26: {  	s20 =	rddreg [dreg:$0x7];
	s17 =	simm.s32 $0x800  }
0x27: {  	[tilespmem:s17], [sflag:$0x1] =	stream.linear.gather [hbm4b:s20+s3], $0x200, $0x38;
	[tilespmem:$0x13400] =	vst v63  }
0x28: {  	s18 =	simm.s32 $0xA00;
	s17 =	rddreg [dreg:$0x8]  }
0x29: {  	[tilespmem:s18], [sflag:$0x1] =	stream.linear.gather [hbm4b:s17+s3], $0x200, $0x38;
	[tilespmem:$0x13400] =	vst v63  }
0x2a: {  	s19 =	rddreg [dreg:$0x9];
	s20 =	simm.s32 $0xC00  }
0x2b: {  	[tilespmem:s20], [sflag:$0x1] =	stream.linear.gather [hbm4b:s19+s3], $0x200, $0x38;
	[tilespmem:$0x13400] =	vst v63  }
0x2c: {  	s17 =	rddreg [dreg:$0xa];
	s18 =	simm.s32 $0xE00  }
0x2d: {  	[tilespmem:s18], [sflag:$0x1] =	stream.linear.gather [hbm4b:s17+s3], $0x200, $0x38;
	[tilespmem:$0x13400] =	vst v63  }
0x2e: {  	s19 =	rddreg [dreg:$0xb];
	s20 =	simm.s32 $0x1000  }
0x2f: {  	[tilespmem:s20], [sflag:$0x1] =	stream.linear.gather [hbm4b:s19+s3], $0x200, $0x38;
	[tilespmem:$0x13400] =	vst v63  }
0x30: {  	s17 =	rddreg [dreg:$0xc];
	s18 =	simm.s32 $0x1200  }
0x31: {  	[tilespmem:s18], [sflag:$0x1] =	stream.linear.gather [hbm4b:s17+s3], $0x200, $0x38;
	[tilespmem:$0x13400] =	vst v63  }
0x32: {  	s19 =	rddreg [dreg:$0xd];
	s20 =	simm.s32 $0x1400  }
0x33: {  	[tilespmem:s20], [sflag:$0x1] =	stream.linear.gather [hbm4b:s19+s3], $0x200, $0x38;
	[tilespmem:$0x13400] =	vst v63  }
0x34: {  	s17 =	rddreg [dreg:$0xe];
	s18 =	simm.s32 $0x1600  }
0x35: {  	[tilespmem:s18], [sflag:$0x1] =	stream.linear.gather [hbm4b:s17+s3], $0x200, $0x38;
	[tilespmem:$0x13400] =	vst v63  }
0x36: {  	s19 =	rddreg [dreg:$0xf];
	s20 =	simm.s32 $0x1800  }
0x37: {  	[tilespmem:s20], [sflag:$0x1] =	stream.linear.gather [hbm4b:s19+s3], $0x200, $0x38;
	[tilespmem:$0x13400] =	vst v63  }
0x38: {  	s17 =	rddreg [dreg:$0x10];
	s18 =	simm.s32 $0x1A00  }
0x39: {  	[tilespmem:s18], [sflag:$0x1] =	stream.linear.gather [hbm4b:s17+s3], $0x200, $0x38;
	[tilespmem:$0x13400] =	vst v63  }
0x3a: {  	s19 =	rddreg [dreg:$0x11];
	s20 =	simm.s32 $0x1C00  }
0x3b: {  	[tilespmem:s20], [sflag:$0x1] =	stream.linear.gather [hbm4b:s19+s3], $0x200, $0x38;
	[tilespmem:$0x13400] =	vst v63  }
0x3c: {  	s18 =	rddreg [dreg:$0x12];
	s19 =	simm.s32 $0x1E00  }
0x3d: {  	[tilespmem:s19], [sflag:$0x1] =	stream.linear.gather [hbm4b:s18+s3], $0x200, $0x38;
	[tilespmem:$0x13400] =	vst v63  }
0x3e: {  	s20 =	simm.s32 $0x2000  }
0x3f: {  	[tilespmem:s20], [sflag:$0x1] =	stream.linear.gather [hbm4b:s21+s3], $0x200, $0x38;
	[tilespmem:$0x13400] =	vst v63  }
0x40: {  	s17 =	simm.s32 $0x2200  }
0x41: {  	[tilespmem:s17], [sflag:$0x1] =	stream.linear.gather [hbm4b:s22+s3], $0x200, $0x38;
	[tilespmem:$0x13400] =	vst v63  }
0x42: {  	s18 =	simm.s32 $0x2400  }
0x43: {  	[tilespmem:s18], [sflag:$0x1] =	stream.linear.gather [hbm4b:s23+s3], $0x200, $0x38;
	[tilespmem:$0x13400] =	vst v63  }
0x44: {  	s19 =	simm.s32 $0x2600  }
0x45: {  	[tilespmem:s19], [sflag:$0x1] =	stream.linear.gather [hbm4b:s24+s3], $0x200, $0x38;
	[tilespmem:$0x13400] =	vst v63  }
0x46: {  	s20 =	simm.s32 $0x2800  }
0x47: {  	[tilespmem:s20], [sflag:$0x1] =	stream.linear.gather [hbm4b:s25+s3], $0x200, $0x38;
	[tilespmem:$0x13400] =	vst v63  }
0x48: {  	s17 =	simm.s32 $0x2A00  }
0x49: {  	[tilespmem:s17], [sflag:$0x1] =	stream.linear.gather [hbm4b:s26+s3], $0x200, $0x38;
	[tilespmem:$0x13400] =	vst v63  }
0x4a: {  	s18 =	simm.s32 $0x2C00  }
0x4b: {  	[tilespmem:s18], [sflag:$0x1] =	stream.linear.gather [hbm4b:s28+s3], $0x200, $0x38;
	[tilespmem:$0x13400] =	vst v63  }
0x4c: {  	s19 =	simm.s32 $0x2E00  }
0x4d: {  	[tilespmem:s19], [sflag:$0x1] =	stream.linear.gather [hbm4b:s29+s3], $0x200, $0x38;
	[tilespmem:$0x13400] =	vst v63  }
0x4e: {  	s20 =	simm.s32 $0x3000  }
0x4f: {  	[tilespmem:s20], [sflag:$0x1] =	stream.linear.gather [hbm4b:s30+s3], $0x200, $0x38;
	[tilespmem:$0x13400] =	vst v63  }
0x50: {  	s17 =	simm.s32 $0x3200  }
0x51: {  	[tilespmem:s17], [sflag:$0x1] =	stream.linear.gather [hbm4b:s31+s3], $0x200, $0x38;
	[tilespmem:$0x13400] =	vst v63  }
0x52: {  	_ =	swait.ge [sflag:s9], $0x200  }
0x53: {  	[sflag:s9] =	ssyncset.done $0x0  }
0x54: {  	[sflag:s9] =	ssyncadd.s32 $0xFFFFFE00  }
0x55: {  	_ =	swait.ge [sflag:s9], $0x200  }
0x56: {  	[sflag:s9] =	ssyncset.done $0x0  }
0x57: {  	[sflag:s9] =	ssyncadd.s32 $0xFFFFFE00  }
0x58: {  	_ =	swait.ge [sflag:s9], $0x200  }
0x59: {  	[sflag:s9] =	ssyncset.done $0x0  }
0x5a: {  	[sflag:s9] =	ssyncadd.s32 $0xFFFFFE00  }
0x5b: {  	_ =	swait.ge [sflag:s9], $0x200  }
0x5c: {  	[sflag:s9] =	ssyncset.done $0x0  }
0x5d: {  	[sflag:s9] =	ssyncadd.s32 $0xFFFFFE00  }
0x5e: {  	_ =	swait.ge [sflag:s9], $0x200  }
0x5f: {  	[sflag:s9] =	ssyncset.done $0x0  }
0x60: {  	[sflag:s9] =	ssyncadd.s32 $0xFFFFFE00  }
0x61: {  	_ =	swait.ge [sflag:s9], $0x200  }
0x62: {  	[sflag:s9] =	ssyncset.done $0x0  }
0x63: {  	[sflag:s9] =	ssyncadd.s32 $0xFFFFFE00  }
0x64: {  	_ =	swait.ge [sflag:s9], $0x200  }
0x65: {  	[sflag:s9] =	ssyncset.done $0x0  }
0x66: {  	[sflag:s9] =	ssyncadd.s32 $0xFFFFFE00  }
0x67: {  	_ =	swait.ge [sflag:s9], $0x200  }
0x68: {  	[sflag:s9] =	ssyncset.done $0x0  }
0x69: {  	[sflag:s9] =	ssyncadd.s32 $0xFFFFFE00  }
0x6a: {  	_ =	swait.ge [sflag:s9], $0x200  }
0x6b: {  	[sflag:s9] =	ssyncset.done $0x0  }
0x6c: {  	[sflag:s9] =	ssyncadd.s32 $0xFFFFFE00  }
0x6d: {  	_ =	swait.ge [sflag:s9], $0x200  }
0x6e: {  	[sflag:s9] =	ssyncset.done $0x0  }
0x6f: {  	[sflag:s9] =	ssyncadd.s32 $0xFFFFFE00  }
0x70: {  	_ =	swait.ge [sflag:s9], $0x200  }
0x71: {  	[sflag:s9] =	ssyncset.done $0x0  }
0x72: {  	[sflag:s9] =	ssyncadd.s32 $0xFFFFFE00  }
0x73: {  	_ =	swait.ge [sflag:s9], $0x200  }
0x74: {  	[sflag:s9] =	ssyncset.done $0x0  }
0x75: {  	[sflag:s9] =	ssyncadd.s32 $0xFFFFFE00  }
0x76: {  	_ =	swait.ge [sflag:s9], $0x200  }
0x77: {  	[sflag:s9] =	ssyncset.done $0x0  }
0x78: {  	[sflag:s9] =	ssyncadd.s32 $0xFFFFFE00  }
0x79: {  	_ =	swait.ge [sflag:s9], $0x200  }
0x7a: {  	[sflag:s9] =	ssyncset.done $0x0  }
0x7b: {  	[sflag:s9] =	ssyncadd.s32 $0xFFFFFE00  }
0x7c: {  	_ =	swait.ge [sflag:s9], $0x200  }
0x7d: {  	[sflag:s9] =	ssyncset.done $0x0  }
0x7e: {  	[sflag:s9] =	ssyncadd.s32 $0xFFFFFE00  }
0x7f: {  	_ =	swait.ge [sflag:s9], $0x200  }
0x80: {  	[sflag:s9] =	ssyncset.done $0x0  }
0x81: {  	[sflag:s9] =	ssyncadd.s32 $0xFFFFFE00  }
0x82: {  	_ =	swait.ge [sflag:s9], $0x200  }
0x83: {  	[sflag:s9] =	ssyncset.done $0x0  }
0x84: {  	[sflag:s9] =	ssyncadd.s32 $0xFFFFFE00  }
0x85: {  	_ =	swait.ge [sflag:s9], $0x200  }
0x86: {  	[sflag:s9] =	ssyncset.done $0x0  }
0x87: {  	[sflag:s9] =	ssyncadd.s32 $0xFFFFFE00  }
0x88: {  	_ =	swait.ge [sflag:s9], $0x200  }
0x89: {  	[sflag:s9] =	ssyncset.done $0x0  }
0x8a: {  	[sflag:s9] =	ssyncadd.s32 $0xFFFFFE00  }
0x8b: {  	_ =	swait.ge [sflag:s9], $0x200  }
0x8c: {  	[sflag:s9] =	ssyncset.done $0x0  }
0x8d: {  	[sflag:s9] =	ssyncadd.s32 $0xFFFFFE00  }
0x8e: {  	_ =	swait.ge [sflag:s9], $0x200  }
0x8f: {  	[sflag:s9] =	ssyncset.done $0x0  }
0x90: {  	[sflag:s9] =	ssyncadd.s32 $0xFFFFFE00  }
0x91: {  	_ =	swait.ge [sflag:s9], $0x200  }
0x92: {  	[sflag:s9] =	ssyncset.done $0x0  }
0x93: {  	[sflag:s9] =	ssyncadd.s32 $0xFFFFFE00  }
0x94: {  	_ =	swait.ge [sflag:s9], $0x200  }
0x95: {  	[sflag:s9] =	ssyncset.done $0x0  }
0x96: {  	[sflag:s9] =	ssyncadd.s32 $0xFFFFFE00  }
0x97: {  	_ =	swait.ge [sflag:s9], $0x200  }
0x98: {  	[sflag:s9] =	ssyncset.done $0x0  }
0x99: {  	[sflag:s9] =	ssyncadd.s32 $0xFFFFFE00  }
0x9a: {  	_ =	swait.ge [sflag:s9], $0x200  }
0x9b: {  	[sflag:s9] =	ssyncset.done $0x0  }
0x9c: {  	[sflag:s9] =	ssyncadd.s32 $0xFFFFFE00  }
0x9d: {  	_ =	swait.ge [sflag:s9], $0x200  }
0x9e: {  	[sflag:s9] =	ssyncset.done $0x0  }
0x9f: {  	[sflag:s9] =	ssyncadd.s32 $0xFFFFFE00  }
0xa0: {  	[tilespmem:s10], [sflag:$0x1] =	stream.indirect.gather [hbm4b:s4+s8], $0x40, s3, s8, $0xb8;
	[tilespmem:$0x13400] =	vst v63  }
0xa1: {  	_ = 	snop  }
0xa2: {  	[tilespmem:s11], [sflag:$0x2] =	stream.indirect.gather [hbm4b:s4+s8], $0x40, s8, s8, $0xb8;
	[tilespmem:$0x13400] =	vst v63  }
0xa3: {  	_ =	swait.ge [sflag:s9], $0x8000  }
0xa4: {  	[sflag:s9] =	ssyncset.done $0x0  }
0xa5: {  	[sflag:s9] =	ssyncadd.s32 $0xFFFF8000  }
0xa6: {  	[hbm4b:s0+s3] =	stream.linear.scatter [tilespmem:s10], [sflag:$0x3], $0x8000, $0x38;
	[tilespmem:$0x13400] =	vst v63  }
0xa7: {  	_ =	swait.ge [sflag:s12], $0x8000  }
0xa8: {  	[sflag:s12] =	ssyncset.done $0x0  }
0xa9: {  	s18 =	simm.s32 $0x400;
	[sflag:s12] =	ssyncadd.s32 $0xFFFF8000  }
0xaa: {  	[tilespmem:s10], [sflag:$0x1] =	stream.indirect.gather [hbm4b:s4+s8], $0x40, s18, s8, $0xb8;
	[tilespmem:$0x13400] =	vst v63  }
0xab: {  	_ =	swait.ge [sflag:s13], $0x8000  }
0xac: {  	[sflag:s13] =	ssyncset.done $0x0  }
0xad: {  	s19 =	sadd.s32 $0x20000, s5;
	[sflag:s13] =	ssyncadd.s32 $0xFFFF8000  }
0xae: {  	[hbm4b:s19+s3] =	stream.linear.scatter [tilespmem:s11], [sflag:$0x3], $0x8000, $0x38;
	[tilespmem:$0x13400] =	vst v63  }
0xaf: {  	_ =	swait.ge [sflag:s12], $0x8000  }
0xb0: {  	[sflag:s12] =	ssyncset.done $0x0  }
0xb1: {  	[sflag:s12] =	ssyncadd.s32 $0xFFFF8000  }
0xb2: {  	[tilespmem:s11], [sflag:$0x2] =	stream.indirect.gather [hbm4b:s4+s8], $0x40, s15, s8, $0xb8;
	[tilespmem:$0x13400] =	vst v63  }
0xb3: {  	_ =	swait.ge [sflag:s9], $0x8000  }
0xb4: {  	s20 =	sshrl.u32 s16, $0x3;
	[sflag:s9] =	ssyncset.done $0x0  }
0xb5: {  	s6 =	sadd.s32 s2, s20;
	[sflag:s9] =	ssyncadd.s32 $0xFFFF8000  }
0xb6: {  	[hbm4b:s6+s3] =	stream.linear.scatter [tilespmem:s10], [sflag:$0x3], $0x8000, $0x38;
	[tilespmem:$0x13400] =	vst v63  }
0xb7: {  	s17 =	simm.s32 $0x60000;
	s18 =	simm.s32 $0xA0000;
	_ =	swait.ge [sflag:s12], $0x8000  }
0xb8: {  	s15 =	simm.s32 $0xA00;
	s6 =	smov.u32 s16;
	[sflag:s12] =	ssyncset.done $0x0  }
.LBB2_2:
0xb9: {  	s19 =	sadd.s32 $0xFFFFFE00, s15  }
0xba: {  	[sflag:s12] =	ssyncadd.s32 $0xFFFF8000;
	s6 =	sadd.s32 $0x200000, s6;
	s20 =	smov.u32 s18  }
0xbb: {  	[tilespmem:s10], [sflag:$0x1] =	stream.indirect.gather [hbm4b:s4+s8], $0x40, s19, s8, $0xb8;
	[tilespmem:$0x13400] =	vst v63  }
0xbc: {  	p0 =	sne.s32 s18, $0x2E0000;
	s18 =	sadd.s32 $0x40000, s18;
	_ =	swait.ge [sflag:s13], $0x8000  }
0xbd: {  	[sflag:s13] =	ssyncset.done $0x0  }
0xbe: {  	s19 =	sadd.s32 s17, s5;
	s17 =	smov.u32 s20;
	[sflag:s13] =	ssyncadd.s32 $0xFFFF8000  }
0xbf: {  	[hbm4b:s19+s3] =	stream.linear.scatter [tilespmem:s11], [sflag:$0x3], $0x8000, $0x38;
	[tilespmem:$0x13400] =	vst v63  }
0xc0: {  	_ =	swait.ge [sflag:s12], $0x8000  }
0xc1: {  	[sflag:s12] =	ssyncset.done $0x0  }
0xc2: {  	[sflag:s12] =	ssyncadd.s32 $0xFFFF8000  }
0xc3: {  	[tilespmem:s11], [sflag:$0x2] =	stream.indirect.gather [hbm4b:s4+s8], $0x40, s15, s8, $0xb8;
	[tilespmem:$0x13400] =	vst v63  }
0xc4: {  	_ =	swait.ge [sflag:s9], $0x8000  }
.Ltmp0:
0xc5: {  	s19 =	sshrl.u32 s6, $0x3;
	[sflag:s9] =	ssyncset.done $0x0;
	(pc) =	sbr.rel @p0 .LBB2_2-.Ltmp0, $4  }
0xc6: {  	s19 =	sadd.s32 s2, s19;
	[sflag:s9] =	ssyncadd.s32 $0xFFFF8000  }
0xc7: {  	[hbm4b:s19+s3] =	stream.linear.scatter [tilespmem:s10], [sflag:$0x3], $0x8000, $0x38;
	[tilespmem:$0x13400] =	vst v63  }
0xc8: {  	_ =	swait.ge [sflag:s12], $0x8000  }
0xc9: {  	s15 =	sadd.s32 $0x400, s15;
	[sflag:s12] =	ssyncset.done $0x0  }
0xca: {  	s18 =	sadd.s32 $0xFFFFFE00, s15;
	[sflag:s12] =	ssyncadd.s32 $0xFFFF8000  }
0xcb: {  	[tilespmem:s10], [sflag:$0x1] =	stream.indirect.gather [hbm4b:s4+s8], $0x40, s18, s8, $0xb8;
	[tilespmem:$0x13400] =	vst v63  }
0xcc: {  	_ =	swait.ge [sflag:s13], $0x8000  }
0xcd: {  	[sflag:s13] =	ssyncset.done $0x0  }
0xce: {  	s17 =	sadd.s32 s17, s5;
	[sflag:s13] =	ssyncadd.s32 $0xFFFF8000  }
0xcf: {  	[hbm4b:s17+s3] =	stream.linear.scatter [tilespmem:s11], [sflag:$0x3], $0x8000, $0x38;
	[tilespmem:$0x13400] =	vst v63  }
0xd0: {  	_ =	swait.ge [sflag:s12], $0x8000  }
0xd1: {  	[sflag:s12] =	ssyncset.done $0x0  }
0xd2: {  	[sflag:s12] =	ssyncadd.s32 $0xFFFF8000  }
0xd3: {  	[tilespmem:s11], [sflag:$0x2] =	stream.indirect.gather [hbm4b:s4+s8], $0x40, s15, s8, $0xb8;
	[tilespmem:$0x13400] =	vst v63  }
0xd4: {  	s6 =	sadd.s32 $0x200000, s6;
	_ =	swait.ge [sflag:s9], $0x8000  }
0xd5: {  	s6 =	sshrl.u32 s6, $0x3;
	[sflag:s9] =	ssyncset.done $0x0  }
0xd6: {  	s6 =	sadd.s32 s2, s6;
	[sflag:s9] =	ssyncadd.s32 $0xFFFF8000  }
0xd7: {  	[hbm4b:s6+s3] =	stream.linear.scatter [tilespmem:s10], [sflag:$0x3], $0x8000, $0x38;
	[tilespmem:$0x13400] =	vst v63  }
0xd8: {  	_ =	swait.ge [sflag:s12], $0x8000  }
0xd9: {  	[sflag:s12] =	ssyncset.done $0x0  }
0xda: {  	[sflag:s12] =	ssyncadd.s32 $0xFFFF8000  }
0xdb: {  	s14 =	sadd.s32 $0x1, s14;
	_ =	swait.ge [sflag:s13], $0x8000  }
0xdc: {  	p0 =	sne.s32 s14, s1;
	[sflag:s13] =	ssyncset.done $0x0  }
.Ltmp1:
0xdd: {  	[sflag:s13] =	ssyncadd.s32 $0xFFFF8000;
	(pc) =	sbr.rel @p0 .LBB2_1-.Ltmp1, $4  }
0xde: {  	[hbm4b:s7+s3] =	stream.linear.scatter [tilespmem:s11], [sflag:$0x3], $0x8000, $0x38;
	[tilespmem:$0x13400] =	vst v63  }
0xdf: {  	_ =	swait.ge [sflag:s12], $0x8000  }
0xe0: {  	[sflag:s12] =	ssyncset.done $0x0  }
0xe1: {  	[sflag:s12] =	ssyncadd.s32 $0xFFFF8000  }
0xe2: {  	_ =	sfence.sel $0x180000  }
0xe3: {  	[bflag:$0x0] =	sbarrier.arrive $0xFFFF  }
0xe4: {  	_ =	strace $0x90000047  }
0xe5: {  	s0 =	stileid.u32;
	[bflag:$0x2] =	sbarrier.arrive $0xFFFF  }
0xe6: {  	p0 =	sne.s32 s0, $0x0;
	s0 =	rddreg [dreg:$0x2]  }
0xe7: {  	s0 =	sadd.s32 @!p0 $0x100000, s0  }
0xe8: {  	[sflag:s0] =	ssyncadd.tile.s32 @!p0 $0x1;
	_ =	shalt  }
.Lfunc_end2:
_tile_overlayer_lowered:
.L_overlay_start_2:
0xe9: {  	(tag) =	ssettag $0x2  }
0xea: {  	s0 =	rddreg [dreg:$0x0];
	s2 =	stileid.u32  }
0xeb: {  	s1 =	rddreg [dreg:$0x1];
	p0 =	sne.s32 s2, $0x0  }
0xec: {  	s3 =	rddreg [dreg:$0x2];
	[bflag:$0x3] =	sbarrier.arrive $0xFFFF;
	s2 =	simm.s32 @!p0 $0x1C03  }
0xed: {  	[timem:s3], [sflag:s2] =	dma.local @!p0 [hbm:s0], s1  }
0xee: {  	s0 =	simm.s32 @!p0 $0x3  }
0xef: {  	_ =	swait.ge @!p0 [sflag:s0], s1  }
0xf0: {  	s1 =	ssub.s32 @!p0 $0x0, s1;
	[sflag:s0] =	ssyncset.done @!p0 $0x0  }
0xf1: {  	[sflag:s0] =	ssyncadd.s32 @!p0 s1  }
0xf2: {  	[bflag:$0x3] =	sbarrier.arrive $0xFFFF  }
0xf3: {  	_ =	shalt  }

// kernel: sparse-core-data-format-call.cloned.1.call-start
scs
called_computation_lowered:
.L_overlay_start_0:
0x0: {  	s2 =	sld [smem:$0x3FD9]  }
0x1: {  	s3 =	sld [smem:$0x3FFE];
	_ =	sdelay $0x1  }
0x2: {  	s1 =	srdreg.scid  }
0x3: {  	s0 =	sand.u32 $0x1, s1  }
0x4: {  	s18 =	sshll.u32 s0, $0xA;
	s2 =	sadd.s32 s3, s2  }
0x5: {  	s2 =	sadd.s32 s2, s18  }
0x6: {  	[smem:$0x3FC6] =	sst s2  }
0x7: {  	_ = 	snop  }
0x8: {  	s2 =	sld [smem:$0x3FD0];
	(tm) =	ssettm $0x1  }
0x9: {  	s19 =	sld [smem:$0x3FFB];
	_ =	sdelay $0x3  }
0xa: {  	_ =	strace s19  }
0xb: {  	s3 =	sld [smem:$0x3FFC];
	_ =	sdelay $0x3  }
0xc: {  	_ =	strace s3  }
0xd: {  	s3 =	sld [smem:$0x3FFD];
	_ =	sdelay $0x3  }
0xe: {  	_ =	strace s3  }
0xf: {  	_ =	strace $0x8FFFFFFF  }
0x10: {  	s20 =	sld [smem:$0x3FDB];
	_ =	sdelay $0x1  }
0x11: {  	s4 =	simm.s32 $_scs_section_size  }
0x12: {  	s5 =	simm.s32 $_size__tile_overlayer_lowered;
	s6 =	simm.s32 $_tile_overlayer_lowered  }
0x13: {  	s23 =	simm.s32 $0x1BFF;
	s22 =	sshll.u32 s6, $0x1;
	s3 =	sadd.s32 s4, s20  }
0x14: {  	s7 =	simm.s32 $0x0;
	s21 =	sshll.u32 s5, $0x1;
	s5 =	sadd.s32 s22, s3  }
0x15: {  	[timem:s7], [sflag:s23] =	dma.local [hbm:s5], s21  }
0x16: {  	_ =	swait.ge [sflag:s23], s21  }
0x17: {  	s4 =	ssub.s32 $0x0, s21;
	[sflag:s23] =	ssyncset.done $0x0  }
0x18: {  	[sflag:s23] =	ssyncadd.s32 s4;
	_ =	sdelay $0x1  }
0x19: {  	s24 =	simm.s32 $0x1B8B  }
0x1a: {  	_ =	swait.ge [sflag:s24], $0x1  }
0x1b: {  	[sflag:s24] =	ssyncset.done $0x0  }
0x1c: {  	s26 =	simm.s32 $0x1B8E;
	s25 =	sld [smem:$0x3FFE];
	[sflag:s24] =	ssyncadd.s32 $0xFFFFFFFF  }
0x1d: {  	s27 =	simm.s32 $execute0_lowered;
	[smem:$0x3FD2] =	sst s26  }
0x1e: {  	s5 =	sshll.u32 s27, $0x1;
	_ =	strace $0x80000049;
	[dreg:$0x1] =	wrdreg $0xFFFFFFFF  }
0x1f: {  	s28 =	simm.s32 $_size_execute0_lowered;
	s3 =	sadd.s32 s3, s5;
	[dreg:$0x0] =	wrdreg $0x0  }
0x20: {  	s5 =	sshll.u32 s28, $0x1;
	[dreg:$0x2] =	wrdreg s3  }
0x21: {  	[dreg:$0x3] =	wrdreg s5  }
0x22: {  	[dreg:$0x4] =	wrdreg $0xC0  }
0x23: {  	_ =	task [dreg:s7], $0x5FFFF  }
0x24: {  	[dreg:$0x1] =	wrdreg $0xFFFFFFFF  }
0x25: {  	[dreg:$0x0] =	wrdreg $0x60  }
0x26: {  	[dreg:$0x2] =	wrdreg s25  }
0x27: {  	[dreg:$0x3] =	wrdreg s2  }
0x28: {  	[dreg:$0x4] =	wrdreg $0x9  }
0x29: {  	_ =	task.clear_ibuf [dreg:s7], $0x5FFFF;
	_ =	strace $0x90000049  }
0x2a: {  	s29 =	simm.s32 $0x9;
	_ =	strace $0x8000004B  }
0x2b: {  	_ =	swait.ge [sflag:s29], $0x1  }
0x2c: {  	[sflag:s29] =	ssyncadd.s32 $0xFFFFFFFF  }
0x2d: {  	_ =	strace $0x9000004B  }
0x2e: {  	_ =	sfence  }
0x2f: {  	s30 =	sld [smem:$0x0];
	_ =	sdelay $0x2  }
0x30: {  	s31 =	sshll.u32 s1, $0xD;
	s1 =	sshrl.u32 s1, $0x2  }
0x31: {  	s3 =	sand.u32 $0x4000, s31;
	s1 =	sadd.s32 s1, s30  }
0x32: {  	s0 =	sor.u32 s3, s0;
	s1 =	sshll.u32 s1, $0x11  }
0x33: {  	s0 =	sor.u32 s1, s0  }
0x34: {  	s0 =	sadd.s32 $0x8F2B, s0  }
0x35: {  	[sflag:s0] =	ssyncadd.remote.s32 $0x1  }
0x36: {  	_ =	sfence.sel $0xFFFF  }
0x37: {  	[dreg:$0x0] =	wrdreg $0xFFFFFFFF;
	(pc) =	sbr.abs _section_cstart, $3  }
0x38: {  	[dreg:$0x1] =	wrdreg $0xFFFFFFFF  }
0x39: {  	_ =	task.clear_ibuf [dreg:s7], $0x2FFFF;
	_ =	strace $0x9FFFFFFF  }
0x3a: {  	(tm) =	ssettm $0x7FFFFFFF  }
0x3b: {  	_ =	shalt  }
tec
execute0_lowered:
.L_overlay_start_1:
0x0: {  	(tag) =	ssettag $0x1  }
0x1: {  	s0 =	srdreg.scid  }
0x2: {  	s1 =	sshll.u32 s0, $0x4  }
0x3: {  	s0 =	stileid.u32;
	s1 =	sand.u32 $0x10, s1  }
0x4: {  	s7 =	rddreg [dreg:$0x0];
	s1 =	sor.u32 s0, s1  }
0x5: {  	s4 =	simm.s32 $0x1;
	s8 =	simm.s32 $0x2;
	s2 =	sshll.u32 s1, $0x7  }
0x6: {  	s13 =	simm.s32 $0x0;
	s9 =	simm.s32 $0x20000;
	s1 =	ssub.s32 $0x4000, s2  }
0x7: {  	s14 =	simm.s32 $0x0;
	s11 =	simm.s32 $0x0;
	s3 =	sand.u32 $0xF80, s1  }
0x8: {  	s12 =	simm.s32 $0x0;
	s5 =	sshrl.u32 s1, $0xC;
	p0 =	sne.s32 s3, $0x0  }
.Ltmp0:
0x9: {  	s1 =	rddreg [dreg:$0x2];
	s4 =	simm.s32 @!p0 $0x0;
	(pc) =	sbr.rel .LBB1_1-.Ltmp0, $4  }
0xa: {  	s6 =	sadd.s32 $0xA00, s7;
	s3 =	rddreg [dreg:$0x1];
	s5 =	sadd.s32 s4, s5  }
0xb: {  	_ =	strace $0x8000004A;
	s4 =	simm.s32 $0x1;
	s5 =	smul.u32 $0xD, s5  }
0xc: {  	s7 =	sadd.s32 $0x40A00, s7;
	s10 =	smov.u32 s2;
	[sflag:s4] =	ssyncpa.u1 $0x0  }
0xd: {  	p0 =	por $0x0, $0x0;
	[sflag:s8] =	ssyncpa.u1 $0x0;
	s8 =	sadd.s32 $0x1, s5  }
.LBB1_7:
0xe: {  	s15 =	sadd.s32 $0x1000, s10  }
0xf: {  	s13 =	sadd.s32 $0x2, s11;
	s17 =	smov.u32 s11;
	p2 =	sgt.s32 s15, $0x3FFF  }
0x10: {  	s17 =	smov.u32 @p2 s13  }
0x11: {  	s15 =	smov.u32 @p2 s2;
	p2 =	sgt.s32 s17, $0x19  }
0x12: {  	s17 =	simm.s32 @p2 $0x0;
	p2 =	sne.s32 s12, s8  }
.Ltmp1:
0x13: {  	p1 =	slt.u32 s12, $0x2;
	(pc) =	sbr.rel @!p2 .LBB1_8-.Ltmp1, $4  }
0x14: {  	s16 =	simm.s32 @!p1 $0x2  }
0x15: {  	s14 =	smov.u32 s11;
	p0 =	por !p0, !p0;
	_ =	swait.ge @!p1 [sflag:s16], $0x4000  }
0x16: {  	s13 =	smov.u32 s10;
	[sflag:s16] =	ssyncset.done @!p1 $0x0;
	s10 =	smov.u32 s15  }
0x17: {  	s12 =	sadd.s32 $0x1, s12;
	[sflag:s16] =	ssyncadd.s32 @!p1 $0xFFFFC000;
	s11 =	smov.u32 s17  }
.LBB1_1:
0x18: {  	p1 =	sge.u32 s12, s5  }
0x19: {  	s15 =	sxor.u32 @!p1 $0xFFFFFFFF, s12;
	s16 =	sshll.u32 @!p1 s11, $0x12  }
0x1a: {  	s17 =	sshll.u32 @!p1 s10, $0x4;
	s19 =	simm.s32 @!p1 $0x40;
	s20 =	simm.s32 @!p1 $0x80  }
0x1b: {  	s15 =	sshll.u32 @!p1 s15, $0xE;
	s17 =	sand.u32 @!p1 $0x3FFF0, s17;
	s18 =	sadd.s32 @!p1 s6, s16  }
0x1c: {  	s16 =	sadd.s32 @!p1 s16, s7;
	s15 =	sand.u32 @!p1 $0x4000, s15;
	s18 =	sadd.s32 @!p1 s17, s18  }
0x1d: {  	[tilespmem:s15], [sflag:$0x1] =	stream.strided.gather @!p1 [hbm4b:s18+s19], $0x2000, s20, s19, $0x38;
	[tilespmem:$0x10100] =	vst v63  }
0x1e: {  	s31 =	sadd.s32 $0xFFFFFFFF, s12;
	s16 =	sadd.s32 @!p1 s17, s16;
	s15 =	sor.u32 @!p1 $0x2000, s15  }
0x1f: {  	[tilespmem:s15], [sflag:$0x1] =	stream.strided.gather @!p1 [hbm4b:s16+s19], $0x2000, s20, s19, $0x38;
	[tilespmem:$0x10100] =	vst v63  }
0x20: {  	p1 =	sge.u32 s31, s5  }
.Ltmp2:
0x21: {  	_ = 	snop;
	(pc) =	sbr.rel @p1 .LBB1_7-.Ltmp2, $1  }
0x22: {  	_ =	sdelay $0x3  }
0x23: {  	s15 =	simm.s32 $0x1;
	s17 =	sand.u32 $0x1, s12  }
0x24: {  	_ =	swait.ge [sflag:s4], $0x4000;
	s15 =	simm.s32 @!p0 $0x0;
	s17 =	smul.u32 $0x10200, s17  }
0x25: {  	p2 =	por $0x1, $0x1;
	[sflag:s4] =	ssyncset.done $0x0;
	s16 =	smul.u32 $0x10200, s15  }
0x26: {  	s18 =	sshll.u32 s15, $0x10;
	[sflag:s4] =	ssyncadd.s32 $0xFFFFC000;
	s30 =	sshrl.u32 s17, $0x2  }
0x27: {  	s31 =	sshrl.u32 s18, $0x2;
	s18 =	simm.s32 $0x0;
	s16 =	sshrl.u32 s16, $0x2  }
0x28: {  	s15 =	sor.u32 $0x8000, s30;
	s17 =	sadd.s32 $0x20, s31;
	s16 =	sor.u32 $0x8000, s16  }
.LBB1_3:
0x29: {  	s19 =	sshll.u32 s18, $0xD  }
0x2a: {  	s19 =	sand.u32 $0x3FFFE000, s19  }
0x2b: {  	s21 =	sadd.s32 s19, s17  }
0x2c: {  	s31 =	smul.u32 $0x8100, s18;
	v3 =	vld [tilespmem:s21+$0x10]  }
0x2d: {  	v1 =	vld [tilespmem:s21+$0xFFFFFFF0]  }
0x2e: {  	s18 =	sshra.s32 s31, $0x2;
	v0 =	vld [tilespmem:s21+$0x0]  }
0x2f: {  	s18 =	sadd.s32 s18, s16;
	v2 =	vld [tilespmem:s21+$0xFFFFFFE0]  }
0x30: {  	s19 =	sadd.s32 $0x0, s18  }
0x31: {  	p1 =	por p2, p2;
	s20 =	simm.s32 $0x4;
	s21 =	sadd.s32 $0x40, s21;
	[tilespmem:s19+$0x1830 ss:$0x81] =	vst.msk $0xffff, v3  }
.LBB1_4:
0x32: {  	v3 =	vld [tilespmem:s21+$0x10];
	p2 =	sne.s32 s20, $0x1FC;
	[tilespmem:s19+$0x810 ss:$0x81] =	vst.msk $0xffff, v1;
	s22 =	smov.u32 s20;
	s20 =	sadd.s32 $0x4, s20  }
.Ltmp3:
0x33: {  	v1 =	vld [tilespmem:s21+$0xFFFFFFF0];
	[tilespmem:s19+$0x1020 ss:$0x81] =	vst.msk $0xffff, v0;
	(pc) =	sbr.rel @p2 .LBB1_4-.Ltmp3, $4  }
0x34: {  	v0 =	vld [tilespmem:s21+$0x0];
	[tilespmem:s19+$0x0 ss:$0x81] =	vst.msk $0xffff, v2  }
0x35: {  	s19 =	sshra.s32 s22, $0x2;
	v2 =	vld [tilespmem:s21+$0xFFFFFFE0]  }
0x36: {  	s19 =	sadd.s32 s19, s18  }
0x37: {  	s21 =	sadd.s32 $0x40, s21;
	[tilespmem:s19+$0x1830 ss:$0x81] =	vst.msk $0xffff, v3  }
.Ltmp4:
0x38: {  	(pc) =	sbr.rel @p1 .LBB1_3-.Ltmp4, $4  }
0x39: {  	_ = 	snop  }
0x3a: {  	[tilespmem:s19+$0x810 ss:$0x81] =	vst.msk $0xffff, v1  }
0x3b: {  	[tilespmem:s19+$0x1020 ss:$0x81] =	vst.msk $0xffff, v0  }
0x3c: {  	s18 =	simm.s32 $0x1;
	p2 =	por $0x0, $0x0;
	[tilespmem:s19+$0x0 ss:$0x81] =	vst.msk $0xffff, v2  }
0x3d: {  	s16 =	sshll.u32 s13, $0x3;
	s17 =	sand.u32 $0x78, s13;
	s14 =	sshll.u32 s14, $0x11  }
.Ltmp5:
0x3e: {  	s30 =	sand.u32 $0x1F800, s13;
	s16 =	sand.u32 $0x3C00, s16;
	(pc) =	sbr.rel .LBB1_7-.Ltmp5, $4  }
0x3f: {  	s31 =	sand.u32 $0x7, s13;
	s14 =	sadd.s32 s3, s14;
	s16 =	sor.u32 s17, s16  }
0x40: {  	s13 =	sshll.u32 s31, $0x12;
	s14 =	sadd.s32 s30, s14;
	s16 =	sshrl.u32 s16, $0x3  }
0x41: {  	s13 =	sor.u32 $0x400, s13;
	s14 =	sadd.s32 s16, s14  }
0x42: {  	[hbm4b:s14+s13] =	stream.strided.scatter [tilespmem:s15], [sflag:$0x2], $0x4000, s9, s13, $0x20;
	[tilespmem:$0x10100] =	vst v63  }
.LBB1_8:
0x43: {  	_ =	sfence.sel $0x180000  }
0x44: {  	s2 =	simm.s32 $0x1;
	[bflag:$0x0] =	sbarrier.arrive $0xFFFF  }
0x45: {  	s31 =	simm.s32 $0x2;
	[sflag:s2] =	ssyncpa.u1 $0x1  }
0x46: {  	[sflag:s31] =	ssyncpa.u1 $0x1  }
0x47: {  	p0 =	sne.s32 s0, $0x0;
	_ =	strace $0x9000004A  }
0x48: {  	s0 =	sadd.s32 @!p0 $0x100000, s1;
	[bflag:$0x2] =	sbarrier.arrive $0xFFFF  }
0x49: {  	[sflag:s0] =	ssyncadd.tile.s32 @!p0 $0x1;
	_ =	shalt  }
.Lfunc_end1:
_tile_overlayer_lowered:
.L_overlay_start_2:
0x4a: {  	(tag) =	ssettag $0x2  }
0x4b: {  	s0 =	rddreg [dreg:$0x0];
	s2 =	stileid.u32  }
0x4c: {  	s1 =	rddreg [dreg:$0x1];
	p0 =	sne.s32 s2, $0x0  }
0x4d: {  	s3 =	rddreg [dreg:$0x2];
	[bflag:$0x3] =	sbarrier.arrive $0xFFFF;
	s2 =	simm.s32 @!p0 $0x1C01  }
0x4e: {  	[timem:s3], [sflag:s2] =	dma.local @!p0 [hbm:s0], s1  }
0x4f: {  	s0 =	simm.s32 @!p0 $0x1  }
0x50: {  	_ =	swait.ge @!p0 [sflag:s0], s1  }
0x51: {  	s1 =	ssub.s32 @!p0 $0x0, s1;
	[sflag:s0] =	ssyncset.done @!p0 $0x0  }
0x52: {  	[sflag:s0] =	ssyncadd.s32 @!p0 s1  }
0x53: {  	[bflag:$0x3] =	sbarrier.arrive $0xFFFF  }
0x54: {  	_ =	shalt  }

</sc_bundles>
